<compile_context>
chip_gen: v7x
topology: tpu7x:2x2x1
jax: 0.10.2.dev20260603
libtpu: 0.0.44.dev20260713+nightly
codegen_flags: <defaults>
</compile_context>

<pallas_src>
import jax
import jax.numpy as jnp
from jax import lax
from jax.experimental import pallas as pl
from jax.experimental.pallas import tpu as pltpu
from jax.experimental.pallas import tpu_sc as plsc

NUM_CORES = 2
NUM_SUBCORES = 16
NUM_WORKERS = NUM_CORES * NUM_SUBCORES
LANES = 16
BATCH = 16384
LATENT_DIM = 32
B_PER_W = BATCH // NUM_WORKERS
N_GROUPS = B_PER_W // LANES


def _factorizer_body(uid_hbm, cid_hbm,
                     logit_hbm, score_hbm,
                     uidx_v, cidx_v, urows_v, irows_v,
                     lout_v, sout_v, usem, isem):
    wid = lax.axis_index("s") * NUM_CORES + lax.axis_index("c")
    base = wid * B_PER_W

    pltpu.sync_copy(uid_hbm.at[pl.ds(base, B_PER_W)], uidx_v)
    pltpu.sync_copy(cid_hbm.at[pl.ds(base, B_PER_W)], cidx_v)


    lane = lax.iota(jnp.int32, LANES)

    def hsum(v):
        for k in (8, 4, 2, 1):
            v = v + v.at[lane ^ k].get(mode="promise_in_bounds",
                                       unique_indices=True)
        return v

    def compute(g, carry):
        acc = jnp.zeros((LANES,), jnp.float32)
        for i in range(LANES):
            r = g * LANES + i
            u_lo = urows_v[r, pl.ds(0, LANES)]
            u_hi = urows_v[r, pl.ds(LANES, LANES)]
            v_lo = irows_v[r, pl.ds(0, LANES)]
            v_hi = irows_v[r, pl.ds(LANES, LANES)]
            dot = hsum(u_lo * v_lo + u_hi * v_hi)
            acc = jnp.where(lane == i, dot, acc)
        sl = pl.ds(g * LANES, LANES)
        lout_v[sl] = acc
        sout_v[sl] = 1.0 / (1.0 + jnp.exp(-acc))
        return carry

    lax.fori_loop(0, 1, compute, 0)

    pltpu.sync_copy(lout_v, logit_hbm.at[pl.ds(base, B_PER_W)])
    pltpu.sync_copy(sout_v, score_hbm.at[pl.ds(base, B_PER_W)])


@jax.jit
def kernel(user_ids, content_ids, user_matrix, item_matrix):
    uid = user_ids.astype(jnp.int32)
    cid = content_ids.astype(jnp.int32)

    run = pl.kernel(
        _factorizer_body,
        out_type=(
            jax.ShapeDtypeStruct((BATCH,), jnp.float32),
            jax.ShapeDtypeStruct((BATCH,), jnp.float32),
        ),
        mesh=plsc.VectorSubcoreMesh(core_axis_name="c", subcore_axis_name="s"),
        compiler_params=pltpu.CompilerParams(use_tc_tiling_on_sc=False),
        scratch_types=[
            pltpu.VMEM((B_PER_W,), jnp.int32),
            pltpu.VMEM((B_PER_W,), jnp.int32),
            pltpu.VMEM((B_PER_W, LATENT_DIM), jnp.float32),
            pltpu.VMEM((B_PER_W, LATENT_DIM), jnp.float32),
            pltpu.VMEM((B_PER_W,), jnp.float32),
            pltpu.VMEM((B_PER_W,), jnp.float32),
            pltpu.SemaphoreType.DMA,
            pltpu.SemaphoreType.DMA,
        ],
    )
    logits, scores = run(uid, cid)
    return (logits[:, None], scores[:, None])

# --- scband reference (transcript-rebuilt; emitter-appended) ---
"""Pipeline reference for scband-matrix-factorizer-31164282699927 (READ-ONLY COPY).

The authoritative reference and input builder live on the scoring server;
editing this copy changes nothing except your own understanding.
"""

import jax, jax.numpy as jnp
import numpy as np

NUM_USERS = 1000000
NUM_ITEMS = 1000000
LATENT_DIM = 32
BATCH = 16384


def setup_inputs(seed: int = 0) -> dict:
    key = jax.random.key(seed)
    k1, k2, k3, k4 = jax.random.split(key, 4)
    user_ids = jax.random.randint(k1, (BATCH,), 0, NUM_USERS, dtype=jnp.int32).astype(jnp.int64)
    content_ids = jax.random.randint(k2, (BATCH,), 0, NUM_ITEMS, dtype=jnp.int32).astype(jnp.int64)
    user_matrix = jax.random.normal(k3, (NUM_USERS, LATENT_DIM), dtype=jnp.float32) * 0.02
    item_matrix = jax.random.normal(k4, (NUM_ITEMS, LATENT_DIM), dtype=jnp.float32) * 0.02
    return {
        "user_ids": user_ids,
        "content_ids": content_ids,
        "user_matrix": user_matrix,
        "item_matrix": item_matrix,
    }


def reference(user_ids, content_ids, user_matrix, item_matrix):
    # Embedding lookups (gather rows)
    user_vecs = jnp.take(user_matrix, user_ids, axis=0)          # [B, D]
    content_vecs = jnp.take(item_matrix, content_ids, axis=0)    # [B, D]
    # wtext=False -> encoded_text is None -> zeros_like(content_vecs)
    encoded_text = jnp.zeros_like(content_vecs)
    logits = (user_vecs * (content_vecs + encoded_text)).sum(axis=-1)  # [B]
    scores = jax.nn.sigmoid(logits)
    return (logits[:, None], scores[:, None])

if __name__ == "__main__":
    import jax
    _d = setup_inputs()
    print(jax.jit(kernel)(*tuple(_d.values())))

</pallas_src>

<mosaic_0001>
#map = affine_map<(d0, d1) -> (0)>
module attributes {stable_mosaic.version = 14 : i64} {
  func.func @_factorizer_body(%arg0: i32, %arg1: i32, %arg2: memref<16384xi32, #tpu.memory_space<hbm>>, %arg3: memref<16384xi32, #tpu.memory_space<hbm>>, %arg4: memref<16384xf32, #tpu.memory_space<hbm>>, %arg5: memref<16384xf32, #tpu.memory_space<hbm>>, %arg6: memref<512xi32, #tpu.memory_space<vmem>>, %arg7: memref<512xi32, #tpu.memory_space<vmem>>, %arg8: memref<512x32xf32, #tpu.memory_space<vmem>>, %arg9: memref<512x32xf32, #tpu.memory_space<vmem>>, %arg10: memref<512xf32, #tpu.memory_space<vmem>>, %arg11: memref<512xf32, #tpu.memory_space<vmem>>, %arg12: memref<!tpu.dma_semaphore, #tpu.memory_space<semaphore_mem>>, %arg13: memref<!tpu.dma_semaphore, #tpu.memory_space<semaphore_mem>>) attributes {dimension_semantics = [#tpu.dimension_semantics<core_parallel>, #tpu.dimension_semantics<subcore_parallel>], iteration_bounds = array<i64: 2, 16>, scalar_prefetch = 0 : i64, scratch_operands = 8 : i64, tpu.core_type = #tpu.core_type<sc_vector_subcore>, window_params = [{transform_indices = #map}, {transform_indices = #map}, {transform_indices = #map}, {transform_indices = #map}]} {
    %mul3A = arith.constant 2 : i32
    %mul3A_0 = arith.muli %arg1, %mul3A : i32
    %add3A = arith.addi %mul3A_0, %arg0 : i32
    %mul3A_1 = arith.constant 512 : i32
    %mul3A_2 = arith.muli %add3A, %mul3A_1 : i32
    "tpu.region"() ({
      %run_scoped3A = tpu.sem_alloc : memref<!tpu.dma_semaphore, #tpu.memory_space<semaphore_mem>>
      %dma_start3A = tpu.memref_slice %arg2[%mul3A_2] : memref<16384xi32, #tpu.memory_space<hbm>> -> memref<512xi32, #tpu.memory_space<hbm>>
      %dma_start3A_1344 = tpu.memref_slice %arg2[%mul3A_2] : memref<16384xi32, #tpu.memory_space<hbm>> -> memref<512xi32, #tpu.memory_space<hbm>>
      tpu.enqueue_dma source(%dma_start3A_1344 : memref<512xi32, #tpu.memory_space<hbm>>) target(%arg6 : memref<512xi32, #tpu.memory_space<vmem>>) target_semaphore(%run_scoped3A : memref<!tpu.dma_semaphore, #tpu.memory_space<semaphore_mem>>)
      %dma_wait3A = tpu.memref_slice %arg2[%mul3A_2] : memref<16384xi32, #tpu.memory_space<hbm>> -> memref<512xi32, #tpu.memory_space<hbm>>
      %dma_wait3A_1345 = tpu.memref_slice %arg2[%mul3A_2] : memref<16384xi32, #tpu.memory_space<hbm>> -> memref<512xi32, #tpu.memory_space<hbm>>
      tpu.wait_dma2 semaphore(%run_scoped3A : memref<!tpu.dma_semaphore, #tpu.memory_space<semaphore_mem>>) src(%dma_wait3A_1345 : memref<512xi32, #tpu.memory_space<hbm>>) dst(%arg6 : memref<512xi32, #tpu.memory_space<vmem>>)
      tpu.yield
    }) : () -> ()
    "tpu.region"() ({
      %run_scoped3A = tpu.sem_alloc : memref<!tpu.dma_semaphore, #tpu.memory_space<semaphore_mem>>
      %dma_start3A = tpu.memref_slice %arg3[%mul3A_2] : memref<16384xi32, #tpu.memory_space<hbm>> -> memref<512xi32, #tpu.memory_space<hbm>>
      %dma_start3A_1344 = tpu.memref_slice %arg3[%mul3A_2] : memref<16384xi32, #tpu.memory_space<hbm>> -> memref<512xi32, #tpu.memory_space<hbm>>
      tpu.enqueue_dma source(%dma_start3A_1344 : memref<512xi32, #tpu.memory_space<hbm>>) target(%arg7 : memref<512xi32, #tpu.memory_space<vmem>>) target_semaphore(%run_scoped3A : memref<!tpu.dma_semaphore, #tpu.memory_space<semaphore_mem>>)
      %dma_wait3A = tpu.memref_slice %arg3[%mul3A_2] : memref<16384xi32, #tpu.memory_space<hbm>> -> memref<512xi32, #tpu.memory_space<hbm>>
      %dma_wait3A_1345 = tpu.memref_slice %arg3[%mul3A_2] : memref<16384xi32, #tpu.memory_space<hbm>> -> memref<512xi32, #tpu.memory_space<hbm>>
      tpu.wait_dma2 semaphore(%run_scoped3A : memref<!tpu.dma_semaphore, #tpu.memory_space<semaphore_mem>>) src(%dma_wait3A_1345 : memref<512xi32, #tpu.memory_space<hbm>>) dst(%arg7 : memref<512xi32, #tpu.memory_space<vmem>>)
      tpu.yield
    }) : () -> ()
    %iota3A = tpu.iota {dimensions = array<i32: 0>} : vector<16xi32>
    %scan3A = arith.constant 0 : i32
    %scan3A_3 = arith.constant 0 : i32
    %broadcast_in_dim3A = arith.constant 0.000000e+00 : f32
    %broadcast_in_dim3A_4 = vector.broadcast %broadcast_in_dim3A : f32 to vector<16xf32>
    %mul3A_5 = arith.constant 16 : i32
    %mul3A_6 = arith.muli %scan3A_3, %mul3A_5 : i32
    %add3A_7 = arith.constant 0 : i32
    %add3A_8 = arith.addi %mul3A_6, %add3A_7 : i32
    %get3A = arith.index_cast %add3A_8 : i32 to index
    %get3A_9 = arith.constant 0 : index
    %get3A_10 = tpu.vector_load %arg8[%get3A, %get3A_9] {strides = array<i32>} : memref<512x32xf32, #tpu.memory_space<vmem>>, vector<1x16xf32>,
    %get3A_11 = vector.shape_cast %get3A_10 : vector<1x16xf32> to vector<16xf32>
    %get3A_12 = arith.index_cast %add3A_8 : i32 to index
    %get3A_13 = arith.constant 16 : index
    %get3A_14 = tpu.vector_load %arg8[%get3A_12, %get3A_13] {strides = array<i32>} : memref<512x32xf32, #tpu.memory_space<vmem>>, vector<1x16xf32>,
    %get3A_15 = vector.shape_cast %get3A_14 : vector<1x16xf32> to vector<16xf32>
    %get3A_16 = arith.index_cast %add3A_8 : i32 to index
    %get3A_17 = arith.constant 0 : index
    %get3A_18 = tpu.vector_load %arg9[%get3A_16, %get3A_17] {strides = array<i32>} : memref<512x32xf32, #tpu.memory_space<vmem>>, vector<1x16xf32>,
    %get3A_19 = vector.shape_cast %get3A_18 : vector<1x16xf32> to vector<16xf32>
    %get3A_20 = arith.index_cast %add3A_8 : i32 to index
    %get3A_21 = arith.constant 16 : index
    %get3A_22 = tpu.vector_load %arg9[%get3A_20, %get3A_21] {strides = array<i32>} : memref<512x32xf32, #tpu.memory_space<vmem>>, vector<1x16xf32>,
    %get3A_23 = vector.shape_cast %get3A_22 : vector<1x16xf32> to vector<16xf32>
    %mul3A_24 = arith.mulf %get3A_11, %get3A_19 : vector<16xf32>
    %mul3A_25 = arith.mulf %get3A_15, %get3A_23 : vector<16xf32>
    %add3A_26 = arith.addf %mul3A_24, %mul3A_25 : vector<16xf32>
    %xor3A = arith.constant 8 : i32
    %xor3A_27 = vector.broadcast %xor3A : i32 to vector<16xi32>
    %xor3A_28 = arith.xori %iota3A, %xor3A_27 : vector<16xi32>
    %lt3A = arith.constant 0 : i32
    %lt3A_29 = vector.broadcast %lt3A : i32 to vector<16xi32>
    %lt3A_30 = arith.cmpi slt, %xor3A_28, %lt3A_29 : vector<16xi32>
    %add3A_31 = arith.constant 16 : i32
    %add3A_32 = vector.broadcast %add3A_31 : i32 to vector<16xi32>
    %add3A_33 = arith.addi %xor3A_28, %add3A_32 : vector<16xi32>
    %select_n3A = arith.select %lt3A_30, %add3A_33, %xor3A_28 : vector<16xi1>, vector<16xi32>
    %broadcast_in_dim3A_34 = vector.shape_cast %select_n3A : vector<16xi32> to vector<16x1xi32>
    %gather3A = vector.shape_cast %broadcast_in_dim3A_34 : vector<16x1xi32> to vector<16xi32>
    %gather3A_35 = tpu.dynamic_gather %add3A_26[%gather3A] in [0] : vector<16xf32>, vector<16xi32> -> vector<16xf32>
    %add3A_36 = arith.addf %add3A_26, %gather3A_35 : vector<16xf32>
    %xor3A_37 = arith.constant 4 : i32
    %xor3A_38 = vector.broadcast %xor3A_37 : i32 to vector<16xi32>
    %xor3A_39 = arith.xori %iota3A, %xor3A_38 : vector<16xi32>
    %lt3A_40 = arith.constant 0 : i32
    %lt3A_41 = vector.broadcast %lt3A_40 : i32 to vector<16xi32>
    %lt3A_42 = arith.cmpi slt, %xor3A_39, %lt3A_41 : vector<16xi32>
    %add3A_43 = arith.constant 16 : i32
    %add3A_44 = vector.broadcast %add3A_43 : i32 to vector<16xi32>
    %add3A_45 = arith.addi %xor3A_39, %add3A_44 : vector<16xi32>
    %select_n3A_46 = arith.select %lt3A_42, %add3A_45, %xor3A_39 : vector<16xi1>, vector<16xi32>
    %broadcast_in_dim3A_47 = vector.shape_cast %select_n3A_46 : vector<16xi32> to vector<16x1xi32>
    %gather3A_48 = vector.shape_cast %broadcast_in_dim3A_47 : vector<16x1xi32> to vector<16xi32>
    %gather3A_49 = tpu.dynamic_gather %add3A_36[%gather3A_48] in [0] : vector<16xf32>, vector<16xi32> -> vector<16xf32>
    %add3A_50 = arith.addf %add3A_36, %gather3A_49 : vector<16xf32>
    %xor3A_51 = arith.constant 2 : i32
    %xor3A_52 = vector.broadcast %xor3A_51 : i32 to vector<16xi32>
    %xor3A_53 = arith.xori %iota3A, %xor3A_52 : vector<16xi32>
    %lt3A_54 = arith.constant 0 : i32
    %lt3A_55 = vector.broadcast %lt3A_54 : i32 to vector<16xi32>
    %lt3A_56 = arith.cmpi slt, %xor3A_53, %lt3A_55 : vector<16xi32>
    %add3A_57 = arith.constant 16 : i32
    %add3A_58 = vector.broadcast %add3A_57 : i32 to vector<16xi32>
    %add3A_59 = arith.addi %xor3A_53, %add3A_58 : vector<16xi32>
    %select_n3A_60 = arith.select %lt3A_56, %add3A_59, %xor3A_53 : vector<16xi1>, vector<16xi32>
    %broadcast_in_dim3A_61 = vector.shape_cast %select_n3A_60 : vector<16xi32> to vector<16x1xi32>
    %gather3A_62 = vector.shape_cast %broadcast_in_dim3A_61 : vector<16x1xi32> to vector<16xi32>
    %gather3A_63 = tpu.dynamic_gather %add3A_50[%gather3A_62] in [0] : vector<16xf32>, vector<16xi32> -> vector<16xf32>
    %add3A_64 = arith.addf %add3A_50, %gather3A_63 : vector<16xf32>
    %xor3A_65 = arith.constant 1 : i32
    %xor3A_66 = vector.broadcast %xor3A_65 : i32 to vector<16xi32>
    %xor3A_67 = arith.xori %iota3A, %xor3A_66 : vector<16xi32>
    %lt3A_68 = arith.constant 0 : i32
    %lt3A_69 = vector.broadcast %lt3A_68 : i32 to vector<16xi32>
    %lt3A_70 = arith.cmpi slt, %xor3A_67, %lt3A_69 : vector<16xi32>
    %add3A_71 = arith.constant 16 : i32
    %add3A_72 = vector.broadcast %add3A_71 : i32 to vector<16xi32>
    %add3A_73 = arith.addi %xor3A_67, %add3A_72 : vector<16xi32>
    %select_n3A_74 = arith.select %lt3A_70, %add3A_73, %xor3A_67 : vector<16xi1>, vector<16xi32>
    %broadcast_in_dim3A_75 = vector.shape_cast %select_n3A_74 : vector<16xi32> to vector<16x1xi32>
    %gather3A_76 = vector.shape_cast %broadcast_in_dim3A_75 : vector<16x1xi32> to vector<16xi32>
    %gather3A_77 = tpu.dynamic_gather %add3A_64[%gather3A_76] in [0] : vector<16xf32>, vector<16xi32> -> vector<16xf32>
    %add3A_78 = arith.addf %add3A_64, %gather3A_77 : vector<16xf32>
    %eq3A = arith.constant 0 : i32
    %eq3A_79 = vector.broadcast %eq3A : i32 to vector<16xi32>
    %eq3A_80 = arith.cmpi eq, %iota3A, %eq3A_79 : vector<16xi32>
    %select_n3A_81 = arith.select %eq3A_80, %add3A_78, %broadcast_in_dim3A_4 : vector<16xi1>, vector<16xf32>
    %mul3A_82 = arith.constant 16 : i32
    %mul3A_83 = arith.muli %scan3A_3, %mul3A_82 : i32
    %add3A_84 = arith.constant 1 : i32
    %add3A_85 = arith.addi %mul3A_83, %add3A_84 : i32
    %get3A_86 = arith.index_cast %add3A_85 : i32 to index
    %get3A_87 = arith.constant 0 : index
    %get3A_88 = tpu.vector_load %arg8[%get3A_86, %get3A_87] {strides = array<i32>} : memref<512x32xf32, #tpu.memory_space<vmem>>, vector<1x16xf32>,
    %get3A_89 = vector.shape_cast %get3A_88 : vector<1x16xf32> to vector<16xf32>
    %get3A_90 = arith.index_cast %add3A_85 : i32 to index
    %get3A_91 = arith.constant 16 : index
    %get3A_92 = tpu.vector_load %arg8[%get3A_90, %get3A_91] {strides = array<i32>} : memref<512x32xf32, #tpu.memory_space<vmem>>, vector<1x16xf32>,
    %get3A_93 = vector.shape_cast %get3A_92 : vector<1x16xf32> to vector<16xf32>
    %get3A_94 = arith.index_cast %add3A_85 : i32 to index
    %get3A_95 = arith.constant 0 : index
    %get3A_96 = tpu.vector_load %arg9[%get3A_94, %get3A_95] {strides = array<i32>} : memref<512x32xf32, #tpu.memory_space<vmem>>, vector<1x16xf32>,
    %get3A_97 = vector.shape_cast %get3A_96 : vector<1x16xf32> to vector<16xf32>
    %get3A_98 = arith.index_cast %add3A_85 : i32 to index
    %get3A_99 = arith.constant 16 : index
    %get3A_100 = tpu.vector_load %arg9[%get3A_98, %get3A_99] {strides = array<i32>} : memref<512x32xf32, #tpu.memory_space<vmem>>, vector<1x16xf32>,
    %get3A_101 = vector.shape_cast %get3A_100 : vector<1x16xf32> to vector<16xf32>
    %mul3A_102 = arith.mulf %get3A_89, %get3A_97 : vector<16xf32>
    %mul3A_103 = arith.mulf %get3A_93, %get3A_101 : vector<16xf32>
    %add3A_104 = arith.addf %mul3A_102, %mul3A_103 : vector<16xf32>
    %xor3A_105 = arith.constant 8 : i32
    %xor3A_106 = vector.broadcast %xor3A_105 : i32 to vector<16xi32>
    %xor3A_107 = arith.xori %iota3A, %xor3A_106 : vector<16xi32>
    %lt3A_108 = arith.constant 0 : i32
    %lt3A_109 = vector.broadcast %lt3A_108 : i32 to vector<16xi32>
    %lt3A_110 = arith.cmpi slt, %xor3A_107, %lt3A_109 : vector<16xi32>
    %add3A_111 = arith.constant 16 : i32
    %add3A_112 = vector.broadcast %add3A_111 : i32 to vector<16xi32>
    %add3A_113 = arith.addi %xor3A_107, %add3A_112 : vector<16xi32>
    %select_n3A_114 = arith.select %lt3A_110, %add3A_113, %xor3A_107 : vector<16xi1>, vector<16xi32>
    %broadcast_in_dim3A_115 = vector.shape_cast %select_n3A_114 : vector<16xi32> to vector<16x1xi32>
    %gather3A_116 = vector.shape_cast %broadcast_in_dim3A_115 : vector<16x1xi32> to vector<16xi32>
    %gather3A_117 = tpu.dynamic_gather %add3A_104[%gather3A_116] in [0] : vector<16xf32>, vector<16xi32> -> vector<16xf32>
    %add3A_118 = arith.addf %add3A_104, %gather3A_117 : vector<16xf32>
    %xor3A_119 = arith.constant 4 : i32
    %xor3A_120 = vector.broadcast %xor3A_119 : i32 to vector<16xi32>
    %xor3A_121 = arith.xori %iota3A, %xor3A_120 : vector<16xi32>
    %lt3A_122 = arith.constant 0 : i32
    %lt3A_123 = vector.broadcast %lt3A_122 : i32 to vector<16xi32>
    %lt3A_124 = arith.cmpi slt, %xor3A_121, %lt3A_123 : vector<16xi32>
    %add3A_125 = arith.constant 16 : i32
    %add3A_126 = vector.broadcast %add3A_125 : i32 to vector<16xi32>
    %add3A_127 = arith.addi %xor3A_121, %add3A_126 : vector<16xi32>
    %select_n3A_128 = arith.select %lt3A_124, %add3A_127, %xor3A_121 : vector<16xi1>, vector<16xi32>
    %broadcast_in_dim3A_129 = vector.shape_cast %select_n3A_128 : vector<16xi32> to vector<16x1xi32>
    %gather3A_130 = vector.shape_cast %broadcast_in_dim3A_129 : vector<16x1xi32> to vector<16xi32>
    %gather3A_131 = tpu.dynamic_gather %add3A_118[%gather3A_130] in [0] : vector<16xf32>, vector<16xi32> -> vector<16xf32>
    %add3A_132 = arith.addf %add3A_118, %gather3A_131 : vector<16xf32>
    %xor3A_133 = arith.constant 2 : i32
    %xor3A_134 = vector.broadcast %xor3A_133 : i32 to vector<16xi32>
    %xor3A_135 = arith.xori %iota3A, %xor3A_134 : vector<16xi32>
    %lt3A_136 = arith.constant 0 : i32
    %lt3A_137 = vector.broadcast %lt3A_136 : i32 to vector<16xi32>
    %lt3A_138 = arith.cmpi slt, %xor3A_135, %lt3A_137 : vector<16xi32>
    %add3A_139 = arith.constant 16 : i32
    %add3A_140 = vector.broadcast %add3A_139 : i32 to vector<16xi32>
    %add3A_141 = arith.addi %xor3A_135, %add3A_140 : vector<16xi32>
    %select_n3A_142 = arith.select %lt3A_138, %add3A_141, %xor3A_135 : vector<16xi1>, vector<16xi32>
    %broadcast_in_dim3A_143 = vector.shape_cast %select_n3A_142 : vector<16xi32> to vector<16x1xi32>
    %gather3A_144 = vector.shape_cast %broadcast_in_dim3A_143 : vector<16x1xi32> to vector<16xi32>
    %gather3A_145 = tpu.dynamic_gather %add3A_132[%gather3A_144] in [0] : vector<16xf32>, vector<16xi32> -> vector<16xf32>
    %add3A_146 = arith.addf %add3A_132, %gather3A_145 : vector<16xf32>
    %xor3A_147 = arith.constant 1 : i32
    %xor3A_148 = vector.broadcast %xor3A_147 : i32 to vector<16xi32>
    %xor3A_149 = arith.xori %iota3A, %xor3A_148 : vector<16xi32>
    %lt3A_150 = arith.constant 0 : i32
    %lt3A_151 = vector.broadcast %lt3A_150 : i32 to vector<16xi32>
    %lt3A_152 = arith.cmpi slt, %xor3A_149, %lt3A_151 : vector<16xi32>
    %add3A_153 = arith.constant 16 : i32
    %add3A_154 = vector.broadcast %add3A_153 : i32 to vector<16xi32>
    %add3A_155 = arith.addi %xor3A_149, %add3A_154 : vector<16xi32>
    %select_n3A_156 = arith.select %lt3A_152, %add3A_155, %xor3A_149 : vector<16xi1>, vector<16xi32>
    %broadcast_in_dim3A_157 = vector.shape_cast %select_n3A_156 : vector<16xi32> to vector<16x1xi32>
    %gather3A_158 = vector.shape_cast %broadcast_in_dim3A_157 : vector<16x1xi32> to vector<16xi32>
    %gather3A_159 = tpu.dynamic_gather %add3A_146[%gather3A_158] in [0] : vector<16xf32>, vector<16xi32> -> vector<16xf32>
    %add3A_160 = arith.addf %add3A_146, %gather3A_159 : vector<16xf32>
    %eq3A_161 = arith.constant 1 : i32
    %eq3A_162 = vector.broadcast %eq3A_161 : i32 to vector<16xi32>
    %eq3A_163 = arith.cmpi eq, %iota3A, %eq3A_162 : vector<16xi32>
    %select_n3A_164 = arith.select %eq3A_163, %add3A_160, %select_n3A_81 : vector<16xi1>, vector<16xf32>
    %mul3A_165 = arith.constant 16 : i32
    %mul3A_166 = arith.muli %scan3A_3, %mul3A_165 : i32
    %add3A_167 = arith.constant 2 : i32
    %add3A_168 = arith.addi %mul3A_166, %add3A_167 : i32
    %get3A_169 = arith.index_cast %add3A_168 : i32 to index
    %get3A_170 = arith.constant 0 : index
    %get3A_171 = tpu.vector_load %arg8[%get3A_169, %get3A_170] {strides = array<i32>} : memref<512x32xf32, #tpu.memory_space<vmem>>, vector<1x16xf32>,
    %get3A_172 = vector.shape_cast %get3A_171 : vector<1x16xf32> to vector<16xf32>
    %get3A_173 = arith.index_cast %add3A_168 : i32 to index
    %get3A_174 = arith.constant 16 : index
    %get3A_175 = tpu.vector_load %arg8[%get3A_173, %get3A_174] {strides = array<i32>} : memref<512x32xf32, #tpu.memory_space<vmem>>, vector<1x16xf32>,
    %get3A_176 = vector.shape_cast %get3A_175 : vector<1x16xf32> to vector<16xf32>
    %get3A_177 = arith.index_cast %add3A_168 : i32 to index
    %get3A_178 = arith.constant 0 : index
    %get3A_179 = tpu.vector_load %arg9[%get3A_177, %get3A_178] {strides = array<i32>} : memref<512x32xf32, #tpu.memory_space<vmem>>, vector<1x16xf32>,
    %get3A_180 = vector.shape_cast %get3A_179 : vector<1x16xf32> to vector<16xf32>
    %get3A_181 = arith.index_cast %add3A_168 : i32 to index
    %get3A_182 = arith.constant 16 : index
    %get3A_183 = tpu.vector_load %arg9[%get3A_181, %get3A_182] {strides = array<i32>} : memref<512x32xf32, #tpu.memory_space<vmem>>, vector<1x16xf32>,
    %get3A_184 = vector.shape_cast %get3A_183 : vector<1x16xf32> to vector<16xf32>
    %mul3A_185 = arith.mulf %get3A_172, %get3A_180 : vector<16xf32>
    %mul3A_186 = arith.mulf %get3A_176, %get3A_184 : vector<16xf32>
    %add3A_187 = arith.addf %mul3A_185, %mul3A_186 : vector<16xf32>
    %xor3A_188 = arith.constant 8 : i32
    %xor3A_189 = vector.broadcast %xor3A_188 : i32 to vector<16xi32>
    %xor3A_190 = arith.xori %iota3A, %xor3A_189 : vector<16xi32>
    %lt3A_191 = arith.constant 0 : i32
    %lt3A_192 = vector.broadcast %lt3A_191 : i32 to vector<16xi32>
    %lt3A_193 = arith.cmpi slt, %xor3A_190, %lt3A_192 : vector<16xi32>
    %add3A_194 = arith.constant 16 : i32
    %add3A_195 = vector.broadcast %add3A_194 : i32 to vector<16xi32>
    %add3A_196 = arith.addi %xor3A_190, %add3A_195 : vector<16xi32>
    %select_n3A_197 = arith.select %lt3A_193, %add3A_196, %xor3A_190 : vector<16xi1>, vector<16xi32>
    %broadcast_in_dim3A_198 = vector.shape_cast %select_n3A_197 : vector<16xi32> to vector<16x1xi32>
    %gather3A_199 = vector.shape_cast %broadcast_in_dim3A_198 : vector<16x1xi32> to vector<16xi32>
    %gather3A_200 = tpu.dynamic_gather %add3A_187[%gather3A_199] in [0] : vector<16xf32>, vector<16xi32> -> vector<16xf32>
    %add3A_201 = arith.addf %add3A_187, %gather3A_200 : vector<16xf32>
    %xor3A_202 = arith.constant 4 : i32
    %xor3A_203 = vector.broadcast %xor3A_202 : i32 to vector<16xi32>
    %xor3A_204 = arith.xori %iota3A, %xor3A_203 : vector<16xi32>
    %lt3A_205 = arith.constant 0 : i32
    %lt3A_206 = vector.broadcast %lt3A_205 : i32 to vector<16xi32>
    %lt3A_207 = arith.cmpi slt, %xor3A_204, %lt3A_206 : vector<16xi32>
    %add3A_208 = arith.constant 16 : i32
    %add3A_209 = vector.broadcast %add3A_208 : i32 to vector<16xi32>
    %add3A_210 = arith.addi %xor3A_204, %add3A_209 : vector<16xi32>
    %select_n3A_211 = arith.select %lt3A_207, %add3A_210, %xor3A_204 : vector<16xi1>, vector<16xi32>
    %broadcast_in_dim3A_212 = vector.shape_cast %select_n3A_211 : vector<16xi32> to vector<16x1xi32>
    %gather3A_213 = vector.shape_cast %broadcast_in_dim3A_212 : vector<16x1xi32> to vector<16xi32>
    %gather3A_214 = tpu.dynamic_gather %add3A_201[%gather3A_213] in [0] : vector<16xf32>, vector<16xi32> -> vector<16xf32>
    %add3A_215 = arith.addf %add3A_201, %gather3A_214 : vector<16xf32>
    %xor3A_216 = arith.constant 2 : i32
    %xor3A_217 = vector.broadcast %xor3A_216 : i32 to vector<16xi32>
    %xor3A_218 = arith.xori %iota3A, %xor3A_217 : vector<16xi32>
    %lt3A_219 = arith.constant 0 : i32
    %lt3A_220 = vector.broadcast %lt3A_219 : i32 to vector<16xi32>
    %lt3A_221 = arith.cmpi slt, %xor3A_218, %lt3A_220 : vector<16xi32>
    %add3A_222 = arith.constant 16 : i32
    %add3A_223 = vector.broadcast %add3A_222 : i32 to vector<16xi32>
    %add3A_224 = arith.addi %xor3A_218, %add3A_223 : vector<16xi32>
    %select_n3A_225 = arith.select %lt3A_221, %add3A_224, %xor3A_218 : vector<16xi1>, vector<16xi32>
    %broadcast_in_dim3A_226 = vector.shape_cast %select_n3A_225 : vector<16xi32> to vector<16x1xi32>
    %gather3A_227 = vector.shape_cast %broadcast_in_dim3A_226 : vector<16x1xi32> to vector<16xi32>
    %gather3A_228 = tpu.dynamic_gather %add3A_215[%gather3A_227] in [0] : vector<16xf32>, vector<16xi32> -> vector<16xf32>
    %add3A_229 = arith.addf %add3A_215, %gather3A_228 : vector<16xf32>
    %xor3A_230 = arith.constant 1 : i32
    %xor3A_231 = vector.broadcast %xor3A_230 : i32 to vector<16xi32>
    %xor3A_232 = arith.xori %iota3A, %xor3A_231 : vector<16xi32>
    %lt3A_233 = arith.constant 0 : i32
    %lt3A_234 = vector.broadcast %lt3A_233 : i32 to vector<16xi32>
    %lt3A_235 = arith.cmpi slt, %xor3A_232, %lt3A_234 : vector<16xi32>
    %add3A_236 = arith.constant 16 : i32
    %add3A_237 = vector.broadcast %add3A_236 : i32 to vector<16xi32>
    %add3A_238 = arith.addi %xor3A_232, %add3A_237 : vector<16xi32>
    %select_n3A_239 = arith.select %lt3A_235, %add3A_238, %xor3A_232 : vector<16xi1>, vector<16xi32>
    %broadcast_in_dim3A_240 = vector.shape_cast %select_n3A_239 : vector<16xi32> to vector<16x1xi32>
    %gather3A_241 = vector.shape_cast %broadcast_in_dim3A_240 : vector<16x1xi32> to vector<16xi32>
    %gather3A_242 = tpu.dynamic_gather %add3A_229[%gather3A_241] in [0] : vector<16xf32>, vector<16xi32> -> vector<16xf32>
    %add3A_243 = arith.addf %add3A_229, %gather3A_242 : vector<16xf32>
    %eq3A_244 = arith.constant 2 : i32
    %eq3A_245 = vector.broadcast %eq3A_244 : i32 to vector<16xi32>
    %eq3A_246 = arith.cmpi eq, %iota3A, %eq3A_245 : vector<16xi32>
    %select_n3A_247 = arith.select %eq3A_246, %add3A_243, %select_n3A_164 : vector<16xi1>, vector<16xf32>
    %mul3A_248 = arith.constant 16 : i32
    %mul3A_249 = arith.muli %scan3A_3, %mul3A_248 : i32
    %add3A_250 = arith.constant 3 : i32
    %add3A_251 = arith.addi %mul3A_249, %add3A_250 : i32
    %get3A_252 = arith.index_cast %add3A_251 : i32 to index
    %get3A_253 = arith.constant 0 : index
    %get3A_254 = tpu.vector_load %arg8[%get3A_252, %get3A_253] {strides = array<i32>} : memref<512x32xf32, #tpu.memory_space<vmem>>, vector<1x16xf32>,
    %get3A_255 = vector.shape_cast %get3A_254 : vector<1x16xf32> to vector<16xf32>
    %get3A_256 = arith.index_cast %add3A_251 : i32 to index
    %get3A_257 = arith.constant 16 : index
    %get3A_258 = tpu.vector_load %arg8[%get3A_256, %get3A_257] {strides = array<i32>} : memref<512x32xf32, #tpu.memory_space<vmem>>, vector<1x16xf32>,
    %get3A_259 = vector.shape_cast %get3A_258 : vector<1x16xf32> to vector<16xf32>
    %get3A_260 = arith.index_cast %add3A_251 : i32 to index
    %get3A_261 = arith.constant 0 : index
    %get3A_262 = tpu.vector_load %arg9[%get3A_260, %get3A_261] {strides = array<i32>} : memref<512x32xf32, #tpu.memory_space<vmem>>, vector<1x16xf32>,
    %get3A_263 = vector.shape_cast %get3A_262 : vector<1x16xf32> to vector<16xf32>
    %get3A_264 = arith.index_cast %add3A_251 : i32 to index
    %get3A_265 = arith.constant 16 : index
    %get3A_266 = tpu.vector_load %arg9[%get3A_264, %get3A_265] {strides = array<i32>} : memref<512x32xf32, #tpu.memory_space<vmem>>, vector<1x16xf32>,
    %get3A_267 = vector.shape_cast %get3A_266 : vector<1x16xf32> to vector<16xf32>
    %mul3A_268 = arith.mulf %get3A_255, %get3A_263 : vector<16xf32>
    %mul3A_269 = arith.mulf %get3A_259, %get3A_267 : vector<16xf32>
    %add3A_270 = arith.addf %mul3A_268, %mul3A_269 : vector<16xf32>
    %xor3A_271 = arith.constant 8 : i32
    %xor3A_272 = vector.broadcast %xor3A_271 : i32 to vector<16xi32>
    %xor3A_273 = arith.xori %iota3A, %xor3A_272 : vector<16xi32>
    %lt3A_274 = arith.constant 0 : i32
    %lt3A_275 = vector.broadcast %lt3A_274 : i32 to vector<16xi32>
    %lt3A_276 = arith.cmpi slt, %xor3A_273, %lt3A_275 : vector<16xi32>
    %add3A_277 = arith.constant 16 : i32
    %add3A_278 = vector.broadcast %add3A_277 : i32 to vector<16xi32>
    %add3A_279 = arith.addi %xor3A_273, %add3A_278 : vector<16xi32>
    %select_n3A_280 = arith.select %lt3A_276, %add3A_279, %xor3A_273 : vector<16xi1>, vector<16xi32>
    %broadcast_in_dim3A_281 = vector.shape_cast %select_n3A_280 : vector<16xi32> to vector<16x1xi32>
    %gather3A_282 = vector.shape_cast %broadcast_in_dim3A_281 : vector<16x1xi32> to vector<16xi32>
    %gather3A_283 = tpu.dynamic_gather %add3A_270[%gather3A_282] in [0] : vector<16xf32>, vector<16xi32> -> vector<16xf32>
    %add3A_284 = arith.addf %add3A_270, %gather3A_283 : vector<16xf32>
    %xor3A_285 = arith.constant 4 : i32
    %xor3A_286 = vector.broadcast %xor3A_285 : i32 to vector<16xi32>
    %xor3A_287 = arith.xori %iota3A, %xor3A_286 : vector<16xi32>
    %lt3A_288 = arith.constant 0 : i32
    %lt3A_289 = vector.broadcast %lt3A_288 : i32 to vector<16xi32>
    %lt3A_290 = arith.cmpi slt, %xor3A_287, %lt3A_289 : vector<16xi32>
    %add3A_291 = arith.constant 16 : i32
    %add3A_292 = vector.broadcast %add3A_291 : i32 to vector<16xi32>
    %add3A_293 = arith.addi %xor3A_287, %add3A_292 : vector<16xi32>
    %select_n3A_294 = arith.select %lt3A_290, %add3A_293, %xor3A_287 : vector<16xi1>, vector<16xi32>
    %broadcast_in_dim3A_295 = vector.shape_cast %select_n3A_294 : vector<16xi32> to vector<16x1xi32>
    %gather3A_296 = vector.shape_cast %broadcast_in_dim3A_295 : vector<16x1xi32> to vector<16xi32>
    %gather3A_297 = tpu.dynamic_gather %add3A_284[%gather3A_296] in [0] : vector<16xf32>, vector<16xi32> -> vector<16xf32>
    %add3A_298 = arith.addf %add3A_284, %gather3A_297 : vector<16xf32>
    %xor3A_299 = arith.constant 2 : i32
    %xor3A_300 = vector.broadcast %xor3A_299 : i32 to vector<16xi32>
    %xor3A_301 = arith.xori %iota3A, %xor3A_300 : vector<16xi32>
    %lt3A_302 = arith.constant 0 : i32
    %lt3A_303 = vector.broadcast %lt3A_302 : i32 to vector<16xi32>
    %lt3A_304 = arith.cmpi slt, %xor3A_301, %lt3A_303 : vector<16xi32>
    %add3A_305 = arith.constant 16 : i32
    %add3A_306 = vector.broadcast %add3A_305 : i32 to vector<16xi32>
    %add3A_307 = arith.addi %xor3A_301, %add3A_306 : vector<16xi32>
    %select_n3A_308 = arith.select %lt3A_304, %add3A_307, %xor3A_301 : vector<16xi1>, vector<16xi32>
    %broadcast_in_dim3A_309 = vector.shape_cast %select_n3A_308 : vector<16xi32> to vector<16x1xi32>
    %gather3A_310 = vector.shape_cast %broadcast_in_dim3A_309 : vector<16x1xi32> to vector<16xi32>
    %gather3A_311 = tpu.dynamic_gather %add3A_298[%gather3A_310] in [0] : vector<16xf32>, vector<16xi32> -> vector<16xf32>
    %add3A_312 = arith.addf %add3A_298, %gather3A_311 : vector<16xf32>
    %xor3A_313 = arith.constant 1 : i32
    %xor3A_314 = vector.broadcast %xor3A_313 : i32 to vector<16xi32>
    %xor3A_315 = arith.xori %iota3A, %xor3A_314 : vector<16xi32>
    %lt3A_316 = arith.constant 0 : i32
    %lt3A_317 = vector.broadcast %lt3A_316 : i32 to vector<16xi32>
    %lt3A_318 = arith.cmpi slt, %xor3A_315, %lt3A_317 : vector<16xi32>
    %add3A_319 = arith.constant 16 : i32
    %add3A_320 = vector.broadcast %add3A_319 : i32 to vector<16xi32>
    %add3A_321 = arith.addi %xor3A_315, %add3A_320 : vector<16xi32>
    %select_n3A_322 = arith.select %lt3A_318, %add3A_321, %xor3A_315 : vector<16xi1>, vector<16xi32>
    %broadcast_in_dim3A_323 = vector.shape_cast %select_n3A_322 : vector<16xi32> to vector<16x1xi32>
    %gather3A_324 = vector.shape_cast %broadcast_in_dim3A_323 : vector<16x1xi32> to vector<16xi32>
    %gather3A_325 = tpu.dynamic_gather %add3A_312[%gather3A_324] in [0] : vector<16xf32>, vector<16xi32> -> vector<16xf32>
    %add3A_326 = arith.addf %add3A_312, %gather3A_325 : vector<16xf32>
    %eq3A_327 = arith.constant 3 : i32
    %eq3A_328 = vector.broadcast %eq3A_327 : i32 to vector<16xi32>
    %eq3A_329 = arith.cmpi eq, %iota3A, %eq3A_328 : vector<16xi32>
    %select_n3A_330 = arith.select %eq3A_329, %add3A_326, %select_n3A_247 : vector<16xi1>, vector<16xf32>
    %mul3A_331 = arith.constant 16 : i32
    %mul3A_332 = arith.muli %scan3A_3, %mul3A_331 : i32
    %add3A_333 = arith.constant 4 : i32
    %add3A_334 = arith.addi %mul3A_332, %add3A_333 : i32
    %get3A_335 = arith.index_cast %add3A_334 : i32 to index
    %get3A_336 = arith.constant 0 : index
    %get3A_337 = tpu.vector_load %arg8[%get3A_335, %get3A_336] {strides = array<i32>} : memref<512x32xf32, #tpu.memory_space<vmem>>, vector<1x16xf32>,
    %get3A_338 = vector.shape_cast %get3A_337 : vector<1x16xf32> to vector<16xf32>
    %get3A_339 = arith.index_cast %add3A_334 : i32 to index
    %get3A_340 = arith.constant 16 : index
    %get3A_341 = tpu.vector_load %arg8[%get3A_339, %get3A_340] {strides = array<i32>} : memref<512x32xf32, #tpu.memory_space<vmem>>, vector<1x16xf32>,
    %get3A_342 = vector.shape_cast %get3A_341 : vector<1x16xf32> to vector<16xf32>
    %get3A_343 = arith.index_cast %add3A_334 : i32 to index
    %get3A_344 = arith.constant 0 : index
    %get3A_345 = tpu.vector_load %arg9[%get3A_343, %get3A_344] {strides = array<i32>} : memref<512x32xf32, #tpu.memory_space<vmem>>, vector<1x16xf32>,
    %get3A_346 = vector.shape_cast %get3A_345 : vector<1x16xf32> to vector<16xf32>
    %get3A_347 = arith.index_cast %add3A_334 : i32 to index
    %get3A_348 = arith.constant 16 : index
    %get3A_349 = tpu.vector_load %arg9[%get3A_347, %get3A_348] {strides = array<i32>} : memref<512x32xf32, #tpu.memory_space<vmem>>, vector<1x16xf32>,
    %get3A_350 = vector.shape_cast %get3A_349 : vector<1x16xf32> to vector<16xf32>
    %mul3A_351 = arith.mulf %get3A_338, %get3A_346 : vector<16xf32>
    %mul3A_352 = arith.mulf %get3A_342, %get3A_350 : vector<16xf32>
    %add3A_353 = arith.addf %mul3A_351, %mul3A_352 : vector<16xf32>
    %xor3A_354 = arith.constant 8 : i32
    %xor3A_355 = vector.broadcast %xor3A_354 : i32 to vector<16xi32>
    %xor3A_356 = arith.xori %iota3A, %xor3A_355 : vector<16xi32>
    %lt3A_357 = arith.constant 0 : i32
    %lt3A_358 = vector.broadcast %lt3A_357 : i32 to vector<16xi32>
    %lt3A_359 = arith.cmpi slt, %xor3A_356, %lt3A_358 : vector<16xi32>
    %add3A_360 = arith.constant 16 : i32
    %add3A_361 = vector.broadcast %add3A_360 : i32 to vector<16xi32>
    %add3A_362 = arith.addi %xor3A_356, %add3A_361 : vector<16xi32>
    %select_n3A_363 = arith.select %lt3A_359, %add3A_362, %xor3A_356 : vector<16xi1>, vector<16xi32>
    %broadcast_in_dim3A_364 = vector.shape_cast %select_n3A_363 : vector<16xi32> to vector<16x1xi32>
    %gather3A_365 = vector.shape_cast %broadcast_in_dim3A_364 : vector<16x1xi32> to vector<16xi32>
    %gather3A_366 = tpu.dynamic_gather %add3A_353[%gather3A_365] in [0] : vector<16xf32>, vector<16xi32> -> vector<16xf32>
    %add3A_367 = arith.addf %add3A_353, %gather3A_366 : vector<16xf32>
    %xor3A_368 = arith.constant 4 : i32
    %xor3A_369 = vector.broadcast %xor3A_368 : i32 to vector<16xi32>
    %xor3A_370 = arith.xori %iota3A, %xor3A_369 : vector<16xi32>
    %lt3A_371 = arith.constant 0 : i32
    %lt3A_372 = vector.broadcast %lt3A_371 : i32 to vector<16xi32>
    %lt3A_373 = arith.cmpi slt, %xor3A_370, %lt3A_372 : vector<16xi32>
    %add3A_374 = arith.constant 16 : i32
    %add3A_375 = vector.broadcast %add3A_374 : i32 to vector<16xi32>
    %add3A_376 = arith.addi %xor3A_370, %add3A_375 : vector<16xi32>
    %select_n3A_377 = arith.select %lt3A_373, %add3A_376, %xor3A_370 : vector<16xi1>, vector<16xi32>
    %broadcast_in_dim3A_378 = vector.shape_cast %select_n3A_377 : vector<16xi32> to vector<16x1xi32>
    %gather3A_379 = vector.shape_cast %broadcast_in_dim3A_378 : vector<16x1xi32> to vector<16xi32>
    %gather3A_380 = tpu.dynamic_gather %add3A_367[%gather3A_379] in [0] : vector<16xf32>, vector<16xi32> -> vector<16xf32>
    %add3A_381 = arith.addf %add3A_367, %gather3A_380 : vector<16xf32>
    %xor3A_382 = arith.constant 2 : i32
    %xor3A_383 = vector.broadcast %xor3A_382 : i32 to vector<16xi32>
    %xor3A_384 = arith.xori %iota3A, %xor3A_383 : vector<16xi32>
    %lt3A_385 = arith.constant 0 : i32
    %lt3A_386 = vector.broadcast %lt3A_385 : i32 to vector<16xi32>
    %lt3A_387 = arith.cmpi slt, %xor3A_384, %lt3A_386 : vector<16xi32>
    %add3A_388 = arith.constant 16 : i32
    %add3A_389 = vector.broadcast %add3A_388 : i32 to vector<16xi32>
    %add3A_390 = arith.addi %xor3A_384, %add3A_389 : vector<16xi32>
    %select_n3A_391 = arith.select %lt3A_387, %add3A_390, %xor3A_384 : vector<16xi1>, vector<16xi32>
    %broadcast_in_dim3A_392 = vector.shape_cast %select_n3A_391 : vector<16xi32> to vector<16x1xi32>
    %gather3A_393 = vector.shape_cast %broadcast_in_dim3A_392 : vector<16x1xi32> to vector<16xi32>
    %gather3A_394 = tpu.dynamic_gather %add3A_381[%gather3A_393] in [0] : vector<16xf32>, vector<16xi32> -> vector<16xf32>
    %add3A_395 = arith.addf %add3A_381, %gather3A_394 : vector<16xf32>
    %xor3A_396 = arith.constant 1 : i32
    %xor3A_397 = vector.broadcast %xor3A_396 : i32 to vector<16xi32>
    %xor3A_398 = arith.xori %iota3A, %xor3A_397 : vector<16xi32>
    %lt3A_399 = arith.constant 0 : i32
    %lt3A_400 = vector.broadcast %lt3A_399 : i32 to vector<16xi32>
    %lt3A_401 = arith.cmpi slt, %xor3A_398, %lt3A_400 : vector<16xi32>
    %add3A_402 = arith.constant 16 : i32
    %add3A_403 = vector.broadcast %add3A_402 : i32 to vector<16xi32>
    %add3A_404 = arith.addi %xor3A_398, %add3A_403 : vector<16xi32>
    %select_n3A_405 = arith.select %lt3A_401, %add3A_404, %xor3A_398 : vector<16xi1>, vector<16xi32>
    %broadcast_in_dim3A_406 = vector.shape_cast %select_n3A_405 : vector<16xi32> to vector<16x1xi32>
    %gather3A_407 = vector.shape_cast %broadcast_in_dim3A_406 : vector<16x1xi32> to vector<16xi32>
    %gather3A_408 = tpu.dynamic_gather %add3A_395[%gather3A_407] in [0] : vector<16xf32>, vector<16xi32> -> vector<16xf32>
    %add3A_409 = arith.addf %add3A_395, %gather3A_408 : vector<16xf32>
    %eq3A_410 = arith.constant 4 : i32
    %eq3A_411 = vector.broadcast %eq3A_410 : i32 to vector<16xi32>
    %eq3A_412 = arith.cmpi eq, %iota3A, %eq3A_411 : vector<16xi32>
    %select_n3A_413 = arith.select %eq3A_412, %add3A_409, %select_n3A_330 : vector<16xi1>, vector<16xf32>
    %mul3A_414 = arith.constant 16 : i32
    %mul3A_415 = arith.muli %scan3A_3, %mul3A_414 : i32
    %add3A_416 = arith.constant 5 : i32
    %add3A_417 = arith.addi %mul3A_415, %add3A_416 : i32
    %get3A_418 = arith.index_cast %add3A_417 : i32 to index
    %get3A_419 = arith.constant 0 : index
    %get3A_420 = tpu.vector_load %arg8[%get3A_418, %get3A_419] {strides = array<i32>} : memref<512x32xf32, #tpu.memory_space<vmem>>, vector<1x16xf32>,
    %get3A_421 = vector.shape_cast %get3A_420 : vector<1x16xf32> to vector<16xf32>
    %get3A_422 = arith.index_cast %add3A_417 : i32 to index
    %get3A_423 = arith.constant 16 : index
    %get3A_424 = tpu.vector_load %arg8[%get3A_422, %get3A_423] {strides = array<i32>} : memref<512x32xf32, #tpu.memory_space<vmem>>, vector<1x16xf32>,
    %get3A_425 = vector.shape_cast %get3A_424 : vector<1x16xf32> to vector<16xf32>
    %get3A_426 = arith.index_cast %add3A_417 : i32 to index
    %get3A_427 = arith.constant 0 : index
    %get3A_428 = tpu.vector_load %arg9[%get3A_426, %get3A_427] {strides = array<i32>} : memref<512x32xf32, #tpu.memory_space<vmem>>, vector<1x16xf32>,
    %get3A_429 = vector.shape_cast %get3A_428 : vector<1x16xf32> to vector<16xf32>
    %get3A_430 = arith.index_cast %add3A_417 : i32 to index
    %get3A_431 = arith.constant 16 : index
    %get3A_432 = tpu.vector_load %arg9[%get3A_430, %get3A_431] {strides = array<i32>} : memref<512x32xf32, #tpu.memory_space<vmem>>, vector<1x16xf32>,
    %get3A_433 = vector.shape_cast %get3A_432 : vector<1x16xf32> to vector<16xf32>
    %mul3A_434 = arith.mulf %get3A_421, %get3A_429 : vector<16xf32>
    %mul3A_435 = arith.mulf %get3A_425, %get3A_433 : vector<16xf32>
    %add3A_436 = arith.addf %mul3A_434, %mul3A_435 : vector<16xf32>
    %xor3A_437 = arith.constant 8 : i32
    %xor3A_438 = vector.broadcast %xor3A_437 : i32 to vector<16xi32>
    %xor3A_439 = arith.xori %iota3A, %xor3A_438 : vector<16xi32>
    %lt3A_440 = arith.constant 0 : i32
    %lt3A_441 = vector.broadcast %lt3A_440 : i32 to vector<16xi32>
    %lt3A_442 = arith.cmpi slt, %xor3A_439, %lt3A_441 : vector<16xi32>
    %add3A_443 = arith.constant 16 : i32
    %add3A_444 = vector.broadcast %add3A_443 : i32 to vector<16xi32>
    %add3A_445 = arith.addi %xor3A_439, %add3A_444 : vector<16xi32>
    %select_n3A_446 = arith.select %lt3A_442, %add3A_445, %xor3A_439 : vector<16xi1>, vector<16xi32>
    %broadcast_in_dim3A_447 = vector.shape_cast %select_n3A_446 : vector<16xi32> to vector<16x1xi32>
    %gather3A_448 = vector.shape_cast %broadcast_in_dim3A_447 : vector<16x1xi32> to vector<16xi32>
    %gather3A_449 = tpu.dynamic_gather %add3A_436[%gather3A_448] in [0] : vector<16xf32>, vector<16xi32> -> vector<16xf32>
    %add3A_450 = arith.addf %add3A_436, %gather3A_449 : vector<16xf32>
    %xor3A_451 = arith.constant 4 : i32
    %xor3A_452 = vector.broadcast %xor3A_451 : i32 to vector<16xi32>
    %xor3A_453 = arith.xori %iota3A, %xor3A_452 : vector<16xi32>
    %lt3A_454 = arith.constant 0 : i32
    %lt3A_455 = vector.broadcast %lt3A_454 : i32 to vector<16xi32>
    %lt3A_456 = arith.cmpi slt, %xor3A_453, %lt3A_455 : vector<16xi32>
    %add3A_457 = arith.constant 16 : i32
    %add3A_458 = vector.broadcast %add3A_457 : i32 to vector<16xi32>
    %add3A_459 = arith.addi %xor3A_453, %add3A_458 : vector<16xi32>
    %select_n3A_460 = arith.select %lt3A_456, %add3A_459, %xor3A_453 : vector<16xi1>, vector<16xi32>
    %broadcast_in_dim3A_461 = vector.shape_cast %select_n3A_460 : vector<16xi32> to vector<16x1xi32>
    %gather3A_462 = vector.shape_cast %broadcast_in_dim3A_461 : vector<16x1xi32> to vector<16xi32>
    %gather3A_463 = tpu.dynamic_gather %add3A_450[%gather3A_462] in [0] : vector<16xf32>, vector<16xi32> -> vector<16xf32>
    %add3A_464 = arith.addf %add3A_450, %gather3A_463 : vector<16xf32>
    %xor3A_465 = arith.constant 2 : i32
    %xor3A_466 = vector.broadcast %xor3A_465 : i32 to vector<16xi32>
    %xor3A_467 = arith.xori %iota3A, %xor3A_466 : vector<16xi32>
    %lt3A_468 = arith.constant 0 : i32
    %lt3A_469 = vector.broadcast %lt3A_468 : i32 to vector<16xi32>
    %lt3A_470 = arith.cmpi slt, %xor3A_467, %lt3A_469 : vector<16xi32>
    %add3A_471 = arith.constant 16 : i32
    %add3A_472 = vector.broadcast %add3A_471 : i32 to vector<16xi32>
    %add3A_473 = arith.addi %xor3A_467, %add3A_472 : vector<16xi32>
    %select_n3A_474 = arith.select %lt3A_470, %add3A_473, %xor3A_467 : vector<16xi1>, vector<16xi32>
    %broadcast_in_dim3A_475 = vector.shape_cast %select_n3A_474 : vector<16xi32> to vector<16x1xi32>
    %gather3A_476 = vector.shape_cast %broadcast_in_dim3A_475 : vector<16x1xi32> to vector<16xi32>
    %gather3A_477 = tpu.dynamic_gather %add3A_464[%gather3A_476] in [0] : vector<16xf32>, vector<16xi32> -> vector<16xf32>
    %add3A_478 = arith.addf %add3A_464, %gather3A_477 : vector<16xf32>
    %xor3A_479 = arith.constant 1 : i32
    %xor3A_480 = vector.broadcast %xor3A_479 : i32 to vector<16xi32>
    %xor3A_481 = arith.xori %iota3A, %xor3A_480 : vector<16xi32>
    %lt3A_482 = arith.constant 0 : i32
    %lt3A_483 = vector.broadcast %lt3A_482 : i32 to vector<16xi32>
    %lt3A_484 = arith.cmpi slt, %xor3A_481, %lt3A_483 : vector<16xi32>
    %add3A_485 = arith.constant 16 : i32
    %add3A_486 = vector.broadcast %add3A_485 : i32 to vector<16xi32>
    %add3A_487 = arith.addi %xor3A_481, %add3A_486 : vector<16xi32>
    %select_n3A_488 = arith.select %lt3A_484, %add3A_487, %xor3A_481 : vector<16xi1>, vector<16xi32>
    %broadcast_in_dim3A_489 = vector.shape_cast %select_n3A_488 : vector<16xi32> to vector<16x1xi32>
    %gather3A_490 = vector.shape_cast %broadcast_in_dim3A_489 : vector<16x1xi32> to vector<16xi32>
    %gather3A_491 = tpu.dynamic_gather %add3A_478[%gather3A_490] in [0] : vector<16xf32>, vector<16xi32> -> vector<16xf32>
    %add3A_492 = arith.addf %add3A_478, %gather3A_491 : vector<16xf32>
    %eq3A_493 = arith.constant 5 : i32
    %eq3A_494 = vector.broadcast %eq3A_493 : i32 to vector<16xi32>
    %eq3A_495 = arith.cmpi eq, %iota3A, %eq3A_494 : vector<16xi32>
    %select_n3A_496 = arith.select %eq3A_495, %add3A_492, %select_n3A_413 : vector<16xi1>, vector<16xf32>
    %mul3A_497 = arith.constant 16 : i32
    %mul3A_498 = arith.muli %scan3A_3, %mul3A_497 : i32
    %add3A_499 = arith.constant 6 : i32
    %add3A_500 = arith.addi %mul3A_498, %add3A_499 : i32
    %get3A_501 = arith.index_cast %add3A_500 : i32 to index
    %get3A_502 = arith.constant 0 : index
    %get3A_503 = tpu.vector_load %arg8[%get3A_501, %get3A_502] {strides = array<i32>} : memref<512x32xf32, #tpu.memory_space<vmem>>, vector<1x16xf32>,
    %get3A_504 = vector.shape_cast %get3A_503 : vector<1x16xf32> to vector<16xf32>
    %get3A_505 = arith.index_cast %add3A_500 : i32 to index
    %get3A_506 = arith.constant 16 : index
    %get3A_507 = tpu.vector_load %arg8[%get3A_505, %get3A_506] {strides = array<i32>} : memref<512x32xf32, #tpu.memory_space<vmem>>, vector<1x16xf32>,
    %get3A_508 = vector.shape_cast %get3A_507 : vector<1x16xf32> to vector<16xf32>
    %get3A_509 = arith.index_cast %add3A_500 : i32 to index
    %get3A_510 = arith.constant 0 : index
    %get3A_511 = tpu.vector_load %arg9[%get3A_509, %get3A_510] {strides = array<i32>} : memref<512x32xf32, #tpu.memory_space<vmem>>, vector<1x16xf32>,
    %get3A_512 = vector.shape_cast %get3A_511 : vector<1x16xf32> to vector<16xf32>
    %get3A_513 = arith.index_cast %add3A_500 : i32 to index
    %get3A_514 = arith.constant 16 : index
    %get3A_515 = tpu.vector_load %arg9[%get3A_513, %get3A_514] {strides = array<i32>} : memref<512x32xf32, #tpu.memory_space<vmem>>, vector<1x16xf32>,
    %get3A_516 = vector.shape_cast %get3A_515 : vector<1x16xf32> to vector<16xf32>
    %mul3A_517 = arith.mulf %get3A_504, %get3A_512 : vector<16xf32>
    %mul3A_518 = arith.mulf %get3A_508, %get3A_516 : vector<16xf32>
    %add3A_519 = arith.addf %mul3A_517, %mul3A_518 : vector<16xf32>
    %xor3A_520 = arith.constant 8 : i32
    %xor3A_521 = vector.broadcast %xor3A_520 : i32 to vector<16xi32>
    %xor3A_522 = arith.xori %iota3A, %xor3A_521 : vector<16xi32>
    %lt3A_523 = arith.constant 0 : i32
    %lt3A_524 = vector.broadcast %lt3A_523 : i32 to vector<16xi32>
    %lt3A_525 = arith.cmpi slt, %xor3A_522, %lt3A_524 : vector<16xi32>
    %add3A_526 = arith.constant 16 : i32
    %add3A_527 = vector.broadcast %add3A_526 : i32 to vector<16xi32>
    %add3A_528 = arith.addi %xor3A_522, %add3A_527 : vector<16xi32>
    %select_n3A_529 = arith.select %lt3A_525, %add3A_528, %xor3A_522 : vector<16xi1>, vector<16xi32>
    %broadcast_in_dim3A_530 = vector.shape_cast %select_n3A_529 : vector<16xi32> to vector<16x1xi32>
    %gather3A_531 = vector.shape_cast %broadcast_in_dim3A_530 : vector<16x1xi32> to vector<16xi32>
    %gather3A_532 = tpu.dynamic_gather %add3A_519[%gather3A_531] in [0] : vector<16xf32>, vector<16xi32> -> vector<16xf32>
    %add3A_533 = arith.addf %add3A_519, %gather3A_532 : vector<16xf32>
    %xor3A_534 = arith.constant 4 : i32
    %xor3A_535 = vector.broadcast %xor3A_534 : i32 to vector<16xi32>
    %xor3A_536 = arith.xori %iota3A, %xor3A_535 : vector<16xi32>
    %lt3A_537 = arith.constant 0 : i32
    %lt3A_538 = vector.broadcast %lt3A_537 : i32 to vector<16xi32>
    %lt3A_539 = arith.cmpi slt, %xor3A_536, %lt3A_538 : vector<16xi32>
    %add3A_540 = arith.constant 16 : i32
    %add3A_541 = vector.broadcast %add3A_540 : i32 to vector<16xi32>
    %add3A_542 = arith.addi %xor3A_536, %add3A_541 : vector<16xi32>
    %select_n3A_543 = arith.select %lt3A_539, %add3A_542, %xor3A_536 : vector<16xi1>, vector<16xi32>
    %broadcast_in_dim3A_544 = vector.shape_cast %select_n3A_543 : vector<16xi32> to vector<16x1xi32>
    %gather3A_545 = vector.shape_cast %broadcast_in_dim3A_544 : vector<16x1xi32> to vector<16xi32>
    %gather3A_546 = tpu.dynamic_gather %add3A_533[%gather3A_545] in [0] : vector<16xf32>, vector<16xi32> -> vector<16xf32>
    %add3A_547 = arith.addf %add3A_533, %gather3A_546 : vector<16xf32>
    %xor3A_548 = arith.constant 2 : i32
    %xor3A_549 = vector.broadcast %xor3A_548 : i32 to vector<16xi32>
    %xor3A_550 = arith.xori %iota3A, %xor3A_549 : vector<16xi32>
    %lt3A_551 = arith.constant 0 : i32
    %lt3A_552 = vector.broadcast %lt3A_551 : i32 to vector<16xi32>
    %lt3A_553 = arith.cmpi slt, %xor3A_550, %lt3A_552 : vector<16xi32>
    %add3A_554 = arith.constant 16 : i32
    %add3A_555 = vector.broadcast %add3A_554 : i32 to vector<16xi32>
    %add3A_556 = arith.addi %xor3A_550, %add3A_555 : vector<16xi32>
    %select_n3A_557 = arith.select %lt3A_553, %add3A_556, %xor3A_550 : vector<16xi1>, vector<16xi32>
    %broadcast_in_dim3A_558 = vector.shape_cast %select_n3A_557 : vector<16xi32> to vector<16x1xi32>
    %gather3A_559 = vector.shape_cast %broadcast_in_dim3A_558 : vector<16x1xi32> to vector<16xi32>
    %gather3A_560 = tpu.dynamic_gather %add3A_547[%gather3A_559] in [0] : vector<16xf32>, vector<16xi32> -> vector<16xf32>
    %add3A_561 = arith.addf %add3A_547, %gather3A_560 : vector<16xf32>
    %xor3A_562 = arith.constant 1 : i32
    %xor3A_563 = vector.broadcast %xor3A_562 : i32 to vector<16xi32>
    %xor3A_564 = arith.xori %iota3A, %xor3A_563 : vector<16xi32>
    %lt3A_565 = arith.constant 0 : i32
    %lt3A_566 = vector.broadcast %lt3A_565 : i32 to vector<16xi32>
    %lt3A_567 = arith.cmpi slt, %xor3A_564, %lt3A_566 : vector<16xi32>
    %add3A_568 = arith.constant 16 : i32
    %add3A_569 = vector.broadcast %add3A_568 : i32 to vector<16xi32>
    %add3A_570 = arith.addi %xor3A_564, %add3A_569 : vector<16xi32>
    %select_n3A_571 = arith.select %lt3A_567, %add3A_570, %xor3A_564 : vector<16xi1>, vector<16xi32>
    %broadcast_in_dim3A_572 = vector.shape_cast %select_n3A_571 : vector<16xi32> to vector<16x1xi32>
    %gather3A_573 = vector.shape_cast %broadcast_in_dim3A_572 : vector<16x1xi32> to vector<16xi32>
    %gather3A_574 = tpu.dynamic_gather %add3A_561[%gather3A_573] in [0] : vector<16xf32>, vector<16xi32> -> vector<16xf32>
    %add3A_575 = arith.addf %add3A_561, %gather3A_574 : vector<16xf32>
    %eq3A_576 = arith.constant 6 : i32
    %eq3A_577 = vector.broadcast %eq3A_576 : i32 to vector<16xi32>
    %eq3A_578 = arith.cmpi eq, %iota3A, %eq3A_577 : vector<16xi32>
    %select_n3A_579 = arith.select %eq3A_578, %add3A_575, %select_n3A_496 : vector<16xi1>, vector<16xf32>
    %mul3A_580 = arith.constant 16 : i32
    %mul3A_581 = arith.muli %scan3A_3, %mul3A_580 : i32
    %add3A_582 = arith.constant 7 : i32
    %add3A_583 = arith.addi %mul3A_581, %add3A_582 : i32
    %get3A_584 = arith.index_cast %add3A_583 : i32 to index
    %get3A_585 = arith.constant 0 : index
    %get3A_586 = tpu.vector_load %arg8[%get3A_584, %get3A_585] {strides = array<i32>} : memref<512x32xf32, #tpu.memory_space<vmem>>, vector<1x16xf32>,
    %get3A_587 = vector.shape_cast %get3A_586 : vector<1x16xf32> to vector<16xf32>
    %get3A_588 = arith.index_cast %add3A_583 : i32 to index
    %get3A_589 = arith.constant 16 : index
    %get3A_590 = tpu.vector_load %arg8[%get3A_588, %get3A_589] {strides = array<i32>} : memref<512x32xf32, #tpu.memory_space<vmem>>, vector<1x16xf32>,
    %get3A_591 = vector.shape_cast %get3A_590 : vector<1x16xf32> to vector<16xf32>
    %get3A_592 = arith.index_cast %add3A_583 : i32 to index
    %get3A_593 = arith.constant 0 : index
    %get3A_594 = tpu.vector_load %arg9[%get3A_592, %get3A_593] {strides = array<i32>} : memref<512x32xf32, #tpu.memory_space<vmem>>, vector<1x16xf32>,
    %get3A_595 = vector.shape_cast %get3A_594 : vector<1x16xf32> to vector<16xf32>
    %get3A_596 = arith.index_cast %add3A_583 : i32 to index
    %get3A_597 = arith.constant 16 : index
    %get3A_598 = tpu.vector_load %arg9[%get3A_596, %get3A_597] {strides = array<i32>} : memref<512x32xf32, #tpu.memory_space<vmem>>, vector<1x16xf32>,
    %get3A_599 = vector.shape_cast %get3A_598 : vector<1x16xf32> to vector<16xf32>
    %mul3A_600 = arith.mulf %get3A_587, %get3A_595 : vector<16xf32>
    %mul3A_601 = arith.mulf %get3A_591, %get3A_599 : vector<16xf32>
    %add3A_602 = arith.addf %mul3A_600, %mul3A_601 : vector<16xf32>
    %xor3A_603 = arith.constant 8 : i32
    %xor3A_604 = vector.broadcast %xor3A_603 : i32 to vector<16xi32>
    %xor3A_605 = arith.xori %iota3A, %xor3A_604 : vector<16xi32>
    %lt3A_606 = arith.constant 0 : i32
    %lt3A_607 = vector.broadcast %lt3A_606 : i32 to vector<16xi32>
    %lt3A_608 = arith.cmpi slt, %xor3A_605, %lt3A_607 : vector<16xi32>
    %add3A_609 = arith.constant 16 : i32
    %add3A_610 = vector.broadcast %add3A_609 : i32 to vector<16xi32>
    %add3A_611 = arith.addi %xor3A_605, %add3A_610 : vector<16xi32>
    %select_n3A_612 = arith.select %lt3A_608, %add3A_611, %xor3A_605 : vector<16xi1>, vector<16xi32>
    %broadcast_in_dim3A_613 = vector.shape_cast %select_n3A_612 : vector<16xi32> to vector<16x1xi32>
    %gather3A_614 = vector.shape_cast %broadcast_in_dim3A_613 : vector<16x1xi32> to vector<16xi32>
    %gather3A_615 = tpu.dynamic_gather %add3A_602[%gather3A_614] in [0] : vector<16xf32>, vector<16xi32> -> vector<16xf32>
    %add3A_616 = arith.addf %add3A_602, %gather3A_615 : vector<16xf32>
    %xor3A_617 = arith.constant 4 : i32
    %xor3A_618 = vector.broadcast %xor3A_617 : i32 to vector<16xi32>
    %xor3A_619 = arith.xori %iota3A, %xor3A_618 : vector<16xi32>
    %lt3A_620 = arith.constant 0 : i32
    %lt3A_621 = vector.broadcast %lt3A_620 : i32 to vector<16xi32>
    %lt3A_622 = arith.cmpi slt, %xor3A_619, %lt3A_621 : vector<16xi32>
    %add3A_623 = arith.constant 16 : i32
    %add3A_624 = vector.broadcast %add3A_623 : i32 to vector<16xi32>
    %add3A_625 = arith.addi %xor3A_619, %add3A_624 : vector<16xi32>
    %select_n3A_626 = arith.select %lt3A_622, %add3A_625, %xor3A_619 : vector<16xi1>, vector<16xi32>
    %broadcast_in_dim3A_627 = vector.shape_cast %select_n3A_626 : vector<16xi32> to vector<16x1xi32>
    %gather3A_628 = vector.shape_cast %broadcast_in_dim3A_627 : vector<16x1xi32> to vector<16xi32>
    %gather3A_629 = tpu.dynamic_gather %add3A_616[%gather3A_628] in [0] : vector<16xf32>, vector<16xi32> -> vector<16xf32>
    %add3A_630 = arith.addf %add3A_616, %gather3A_629 : vector<16xf32>
    %xor3A_631 = arith.constant 2 : i32
    %xor3A_632 = vector.broadcast %xor3A_631 : i32 to vector<16xi32>
    %xor3A_633 = arith.xori %iota3A, %xor3A_632 : vector<16xi32>
    %lt3A_634 = arith.constant 0 : i32
    %lt3A_635 = vector.broadcast %lt3A_634 : i32 to vector<16xi32>
    %lt3A_636 = arith.cmpi slt, %xor3A_633, %lt3A_635 : vector<16xi32>
    %add3A_637 = arith.constant 16 : i32
    %add3A_638 = vector.broadcast %add3A_637 : i32 to vector<16xi32>
    %add3A_639 = arith.addi %xor3A_633, %add3A_638 : vector<16xi32>
    %select_n3A_640 = arith.select %lt3A_636, %add3A_639, %xor3A_633 : vector<16xi1>, vector<16xi32>
    %broadcast_in_dim3A_641 = vector.shape_cast %select_n3A_640 : vector<16xi32> to vector<16x1xi32>
    %gather3A_642 = vector.shape_cast %broadcast_in_dim3A_641 : vector<16x1xi32> to vector<16xi32>
    %gather3A_643 = tpu.dynamic_gather %add3A_630[%gather3A_642] in [0] : vector<16xf32>, vector<16xi32> -> vector<16xf32>
    %add3A_644 = arith.addf %add3A_630, %gather3A_643 : vector<16xf32>
    %xor3A_645 = arith.constant 1 : i32
    %xor3A_646 = vector.broadcast %xor3A_645 : i32 to vector<16xi32>
    %xor3A_647 = arith.xori %iota3A, %xor3A_646 : vector<16xi32>
    %lt3A_648 = arith.constant 0 : i32
    %lt3A_649 = vector.broadcast %lt3A_648 : i32 to vector<16xi32>
    %lt3A_650 = arith.cmpi slt, %xor3A_647, %lt3A_649 : vector<16xi32>
    %add3A_651 = arith.constant 16 : i32
    %add3A_652 = vector.broadcast %add3A_651 : i32 to vector<16xi32>
    %add3A_653 = arith.addi %xor3A_647, %add3A_652 : vector<16xi32>
    %select_n3A_654 = arith.select %lt3A_650, %add3A_653, %xor3A_647 : vector<16xi1>, vector<16xi32>
    %broadcast_in_dim3A_655 = vector.shape_cast %select_n3A_654 : vector<16xi32> to vector<16x1xi32>
    %gather3A_656 = vector.shape_cast %broadcast_in_dim3A_655 : vector<16x1xi32> to vector<16xi32>
    %gather3A_657 = tpu.dynamic_gather %add3A_644[%gather3A_656] in [0] : vector<16xf32>, vector<16xi32> -> vector<16xf32>
    %add3A_658 = arith.addf %add3A_644, %gather3A_657 : vector<16xf32>
    %eq3A_659 = arith.constant 7 : i32
    %eq3A_660 = vector.broadcast %eq3A_659 : i32 to vector<16xi32>
    %eq3A_661 = arith.cmpi eq, %iota3A, %eq3A_660 : vector<16xi32>
    %select_n3A_662 = arith.select %eq3A_661, %add3A_658, %select_n3A_579 : vector<16xi1>, vector<16xf32>
    %mul3A_663 = arith.constant 16 : i32
    %mul3A_664 = arith.muli %scan3A_3, %mul3A_663 : i32
    %add3A_665 = arith.constant 8 : i32
    %add3A_666 = arith.addi %mul3A_664, %add3A_665 : i32
    %get3A_667 = arith.index_cast %add3A_666 : i32 to index
    %get3A_668 = arith.constant 0 : index
    %get3A_669 = tpu.vector_load %arg8[%get3A_667, %get3A_668] {strides = array<i32>} : memref<512x32xf32, #tpu.memory_space<vmem>>, vector<1x16xf32>,
    %get3A_670 = vector.shape_cast %get3A_669 : vector<1x16xf32> to vector<16xf32>
    %get3A_671 = arith.index_cast %add3A_666 : i32 to index
    %get3A_672 = arith.constant 16 : index
    %get3A_673 = tpu.vector_load %arg8[%get3A_671, %get3A_672] {strides = array<i32>} : memref<512x32xf32, #tpu.memory_space<vmem>>, vector<1x16xf32>,
    %get3A_674 = vector.shape_cast %get3A_673 : vector<1x16xf32> to vector<16xf32>
    %get3A_675 = arith.index_cast %add3A_666 : i32 to index
    %get3A_676 = arith.constant 0 : index
    %get3A_677 = tpu.vector_load %arg9[%get3A_675, %get3A_676] {strides = array<i32>} : memref<512x32xf32, #tpu.memory_space<vmem>>, vector<1x16xf32>,
    %get3A_678 = vector.shape_cast %get3A_677 : vector<1x16xf32> to vector<16xf32>
    %get3A_679 = arith.index_cast %add3A_666 : i32 to index
    %get3A_680 = arith.constant 16 : index
    %get3A_681 = tpu.vector_load %arg9[%get3A_679, %get3A_680] {strides = array<i32>} : memref<512x32xf32, #tpu.memory_space<vmem>>, vector<1x16xf32>,
    %get3A_682 = vector.shape_cast %get3A_681 : vector<1x16xf32> to vector<16xf32>
    %mul3A_683 = arith.mulf %get3A_670, %get3A_678 : vector<16xf32>
    %mul3A_684 = arith.mulf %get3A_674, %get3A_682 : vector<16xf32>
    %add3A_685 = arith.addf %mul3A_683, %mul3A_684 : vector<16xf32>
    %xor3A_686 = arith.constant 8 : i32
    %xor3A_687 = vector.broadcast %xor3A_686 : i32 to vector<16xi32>
    %xor3A_688 = arith.xori %iota3A, %xor3A_687 : vector<16xi32>
    %lt3A_689 = arith.constant 0 : i32
    %lt3A_690 = vector.broadcast %lt3A_689 : i32 to vector<16xi32>
    %lt3A_691 = arith.cmpi slt, %xor3A_688, %lt3A_690 : vector<16xi32>
    %add3A_692 = arith.constant 16 : i32
    %add3A_693 = vector.broadcast %add3A_692 : i32 to vector<16xi32>
    %add3A_694 = arith.addi %xor3A_688, %add3A_693 : vector<16xi32>
    %select_n3A_695 = arith.select %lt3A_691, %add3A_694, %xor3A_688 : vector<16xi1>, vector<16xi32>
    %broadcast_in_dim3A_696 = vector.shape_cast %select_n3A_695 : vector<16xi32> to vector<16x1xi32>
    %gather3A_697 = vector.shape_cast %broadcast_in_dim3A_696 : vector<16x1xi32> to vector<16xi32>
    %gather3A_698 = tpu.dynamic_gather %add3A_685[%gather3A_697] in [0] : vector<16xf32>, vector<16xi32> -> vector<16xf32>
    %add3A_699 = arith.addf %add3A_685, %gather3A_698 : vector<16xf32>
    %xor3A_700 = arith.constant 4 : i32
    %xor3A_701 = vector.broadcast %xor3A_700 : i32 to vector<16xi32>
    %xor3A_702 = arith.xori %iota3A, %xor3A_701 : vector<16xi32>
    %lt3A_703 = arith.constant 0 : i32
    %lt3A_704 = vector.broadcast %lt3A_703 : i32 to vector<16xi32>
    %lt3A_705 = arith.cmpi slt, %xor3A_702, %lt3A_704 : vector<16xi32>
    %add3A_706 = arith.constant 16 : i32
    %add3A_707 = vector.broadcast %add3A_706 : i32 to vector<16xi32>
    %add3A_708 = arith.addi %xor3A_702, %add3A_707 : vector<16xi32>
    %select_n3A_709 = arith.select %lt3A_705, %add3A_708, %xor3A_702 : vector<16xi1>, vector<16xi32>
    %broadcast_in_dim3A_710 = vector.shape_cast %select_n3A_709 : vector<16xi32> to vector<16x1xi32>
    %gather3A_711 = vector.shape_cast %broadcast_in_dim3A_710 : vector<16x1xi32> to vector<16xi32>
    %gather3A_712 = tpu.dynamic_gather %add3A_699[%gather3A_711] in [0] : vector<16xf32>, vector<16xi32> -> vector<16xf32>
    %add3A_713 = arith.addf %add3A_699, %gather3A_712 : vector<16xf32>
    %xor3A_714 = arith.constant 2 : i32
    %xor3A_715 = vector.broadcast %xor3A_714 : i32 to vector<16xi32>
    %xor3A_716 = arith.xori %iota3A, %xor3A_715 : vector<16xi32>
    %lt3A_717 = arith.constant 0 : i32
    %lt3A_718 = vector.broadcast %lt3A_717 : i32 to vector<16xi32>
    %lt3A_719 = arith.cmpi slt, %xor3A_716, %lt3A_718 : vector<16xi32>
    %add3A_720 = arith.constant 16 : i32
    %add3A_721 = vector.broadcast %add3A_720 : i32 to vector<16xi32>
    %add3A_722 = arith.addi %xor3A_716, %add3A_721 : vector<16xi32>
    %select_n3A_723 = arith.select %lt3A_719, %add3A_722, %xor3A_716 : vector<16xi1>, vector<16xi32>
    %broadcast_in_dim3A_724 = vector.shape_cast %select_n3A_723 : vector<16xi32> to vector<16x1xi32>
    %gather3A_725 = vector.shape_cast %broadcast_in_dim3A_724 : vector<16x1xi32> to vector<16xi32>
    %gather3A_726 = tpu.dynamic_gather %add3A_713[%gather3A_725] in [0] : vector<16xf32>, vector<16xi32> -> vector<16xf32>
    %add3A_727 = arith.addf %add3A_713, %gather3A_726 : vector<16xf32>
    %xor3A_728 = arith.constant 1 : i32
    %xor3A_729 = vector.broadcast %xor3A_728 : i32 to vector<16xi32>
    %xor3A_730 = arith.xori %iota3A, %xor3A_729 : vector<16xi32>
    %lt3A_731 = arith.constant 0 : i32
    %lt3A_732 = vector.broadcast %lt3A_731 : i32 to vector<16xi32>
    %lt3A_733 = arith.cmpi slt, %xor3A_730, %lt3A_732 : vector<16xi32>
    %add3A_734 = arith.constant 16 : i32
    %add3A_735 = vector.broadcast %add3A_734 : i32 to vector<16xi32>
    %add3A_736 = arith.addi %xor3A_730, %add3A_735 : vector<16xi32>
    %select_n3A_737 = arith.select %lt3A_733, %add3A_736, %xor3A_730 : vector<16xi1>, vector<16xi32>
    %broadcast_in_dim3A_738 = vector.shape_cast %select_n3A_737 : vector<16xi32> to vector<16x1xi32>
    %gather3A_739 = vector.shape_cast %broadcast_in_dim3A_738 : vector<16x1xi32> to vector<16xi32>
    %gather3A_740 = tpu.dynamic_gather %add3A_727[%gather3A_739] in [0] : vector<16xf32>, vector<16xi32> -> vector<16xf32>
    %add3A_741 = arith.addf %add3A_727, %gather3A_740 : vector<16xf32>
    %eq3A_742 = arith.constant 8 : i32
    %eq3A_743 = vector.broadcast %eq3A_742 : i32 to vector<16xi32>
    %eq3A_744 = arith.cmpi eq, %iota3A, %eq3A_743 : vector<16xi32>
    %select_n3A_745 = arith.select %eq3A_744, %add3A_741, %select_n3A_662 : vector<16xi1>, vector<16xf32>
    %mul3A_746 = arith.constant 16 : i32
    %mul3A_747 = arith.muli %scan3A_3, %mul3A_746 : i32
    %add3A_748 = arith.constant 9 : i32
    %add3A_749 = arith.addi %mul3A_747, %add3A_748 : i32
    %get3A_750 = arith.index_cast %add3A_749 : i32 to index
    %get3A_751 = arith.constant 0 : index
    %get3A_752 = tpu.vector_load %arg8[%get3A_750, %get3A_751] {strides = array<i32>} : memref<512x32xf32, #tpu.memory_space<vmem>>, vector<1x16xf32>,
    %get3A_753 = vector.shape_cast %get3A_752 : vector<1x16xf32> to vector<16xf32>
    %get3A_754 = arith.index_cast %add3A_749 : i32 to index
    %get3A_755 = arith.constant 16 : index
    %get3A_756 = tpu.vector_load %arg8[%get3A_754, %get3A_755] {strides = array<i32>} : memref<512x32xf32, #tpu.memory_space<vmem>>, vector<1x16xf32>,
    %get3A_757 = vector.shape_cast %get3A_756 : vector<1x16xf32> to vector<16xf32>
    %get3A_758 = arith.index_cast %add3A_749 : i32 to index
    %get3A_759 = arith.constant 0 : index
    %get3A_760 = tpu.vector_load %arg9[%get3A_758, %get3A_759] {strides = array<i32>} : memref<512x32xf32, #tpu.memory_space<vmem>>, vector<1x16xf32>,
    %get3A_761 = vector.shape_cast %get3A_760 : vector<1x16xf32> to vector<16xf32>
    %get3A_762 = arith.index_cast %add3A_749 : i32 to index
    %get3A_763 = arith.constant 16 : index
    %get3A_764 = tpu.vector_load %arg9[%get3A_762, %get3A_763] {strides = array<i32>} : memref<512x32xf32, #tpu.memory_space<vmem>>, vector<1x16xf32>,
    %get3A_765 = vector.shape_cast %get3A_764 : vector<1x16xf32> to vector<16xf32>
    %mul3A_766 = arith.mulf %get3A_753, %get3A_761 : vector<16xf32>
    %mul3A_767 = arith.mulf %get3A_757, %get3A_765 : vector<16xf32>
    %add3A_768 = arith.addf %mul3A_766, %mul3A_767 : vector<16xf32>
    %xor3A_769 = arith.constant 8 : i32
    %xor3A_770 = vector.broadcast %xor3A_769 : i32 to vector<16xi32>
    %xor3A_771 = arith.xori %iota3A, %xor3A_770 : vector<16xi32>
    %lt3A_772 = arith.constant 0 : i32
    %lt3A_773 = vector.broadcast %lt3A_772 : i32 to vector<16xi32>
    %lt3A_774 = arith.cmpi slt, %xor3A_771, %lt3A_773 : vector<16xi32>
    %add3A_775 = arith.constant 16 : i32
    %add3A_776 = vector.broadcast %add3A_775 : i32 to vector<16xi32>
    %add3A_777 = arith.addi %xor3A_771, %add3A_776 : vector<16xi32>
    %select_n3A_778 = arith.select %lt3A_774, %add3A_777, %xor3A_771 : vector<16xi1>, vector<16xi32>
    %broadcast_in_dim3A_779 = vector.shape_cast %select_n3A_778 : vector<16xi32> to vector<16x1xi32>
    %gather3A_780 = vector.shape_cast %broadcast_in_dim3A_779 : vector<16x1xi32> to vector<16xi32>
    %gather3A_781 = tpu.dynamic_gather %add3A_768[%gather3A_780] in [0] : vector<16xf32>, vector<16xi32> -> vector<16xf32>
    %add3A_782 = arith.addf %add3A_768, %gather3A_781 : vector<16xf32>
    %xor3A_783 = arith.constant 4 : i32
    %xor3A_784 = vector.broadcast %xor3A_783 : i32 to vector<16xi32>
    %xor3A_785 = arith.xori %iota3A, %xor3A_784 : vector<16xi32>
    %lt3A_786 = arith.constant 0 : i32
    %lt3A_787 = vector.broadcast %lt3A_786 : i32 to vector<16xi32>
    %lt3A_788 = arith.cmpi slt, %xor3A_785, %lt3A_787 : vector<16xi32>
    %add3A_789 = arith.constant 16 : i32
    %add3A_790 = vector.broadcast %add3A_789 : i32 to vector<16xi32>
    %add3A_791 = arith.addi %xor3A_785, %add3A_790 : vector<16xi32>
    %select_n3A_792 = arith.select %lt3A_788, %add3A_791, %xor3A_785 : vector<16xi1>, vector<16xi32>
    %broadcast_in_dim3A_793 = vector.shape_cast %select_n3A_792 : vector<16xi32> to vector<16x1xi32>
    %gather3A_794 = vector.shape_cast %broadcast_in_dim3A_793 : vector<16x1xi32> to vector<16xi32>
    %gather3A_795 = tpu.dynamic_gather %add3A_782[%gather3A_794] in [0] : vector<16xf32>, vector<16xi32> -> vector<16xf32>
    %add3A_796 = arith.addf %add3A_782, %gather3A_795 : vector<16xf32>
    %xor3A_797 = arith.constant 2 : i32
    %xor3A_798 = vector.broadcast %xor3A_797 : i32 to vector<16xi32>
    %xor3A_799 = arith.xori %iota3A, %xor3A_798 : vector<16xi32>
    %lt3A_800 = arith.constant 0 : i32
    %lt3A_801 = vector.broadcast %lt3A_800 : i32 to vector<16xi32>
    %lt3A_802 = arith.cmpi slt, %xor3A_799, %lt3A_801 : vector<16xi32>
    %add3A_803 = arith.constant 16 : i32
    %add3A_804 = vector.broadcast %add3A_803 : i32 to vector<16xi32>
    %add3A_805 = arith.addi %xor3A_799, %add3A_804 : vector<16xi32>
    %select_n3A_806 = arith.select %lt3A_802, %add3A_805, %xor3A_799 : vector<16xi1>, vector<16xi32>
    %broadcast_in_dim3A_807 = vector.shape_cast %select_n3A_806 : vector<16xi32> to vector<16x1xi32>
    %gather3A_808 = vector.shape_cast %broadcast_in_dim3A_807 : vector<16x1xi32> to vector<16xi32>
    %gather3A_809 = tpu.dynamic_gather %add3A_796[%gather3A_808] in [0] : vector<16xf32>, vector<16xi32> -> vector<16xf32>
    %add3A_810 = arith.addf %add3A_796, %gather3A_809 : vector<16xf32>
    %xor3A_811 = arith.constant 1 : i32
    %xor3A_812 = vector.broadcast %xor3A_811 : i32 to vector<16xi32>
    %xor3A_813 = arith.xori %iota3A, %xor3A_812 : vector<16xi32>
    %lt3A_814 = arith.constant 0 : i32
    %lt3A_815 = vector.broadcast %lt3A_814 : i32 to vector<16xi32>
    %lt3A_816 = arith.cmpi slt, %xor3A_813, %lt3A_815 : vector<16xi32>
    %add3A_817 = arith.constant 16 : i32
    %add3A_818 = vector.broadcast %add3A_817 : i32 to vector<16xi32>
    %add3A_819 = arith.addi %xor3A_813, %add3A_818 : vector<16xi32>
    %select_n3A_820 = arith.select %lt3A_816, %add3A_819, %xor3A_813 : vector<16xi1>, vector<16xi32>
    %broadcast_in_dim3A_821 = vector.shape_cast %select_n3A_820 : vector<16xi32> to vector<16x1xi32>
    %gather3A_822 = vector.shape_cast %broadcast_in_dim3A_821 : vector<16x1xi32> to vector<16xi32>
    %gather3A_823 = tpu.dynamic_gather %add3A_810[%gather3A_822] in [0] : vector<16xf32>, vector<16xi32> -> vector<16xf32>
    %add3A_824 = arith.addf %add3A_810, %gather3A_823 : vector<16xf32>
    %eq3A_825 = arith.constant 9 : i32
    %eq3A_826 = vector.broadcast %eq3A_825 : i32 to vector<16xi32>
    %eq3A_827 = arith.cmpi eq, %iota3A, %eq3A_826 : vector<16xi32>
    %select_n3A_828 = arith.select %eq3A_827, %add3A_824, %select_n3A_745 : vector<16xi1>, vector<16xf32>
    %mul3A_829 = arith.constant 16 : i32
    %mul3A_830 = arith.muli %scan3A_3, %mul3A_829 : i32
    %add3A_831 = arith.constant 10 : i32
    %add3A_832 = arith.addi %mul3A_830, %add3A_831 : i32
    %get3A_833 = arith.index_cast %add3A_832 : i32 to index
    %get3A_834 = arith.constant 0 : index
    %get3A_835 = tpu.vector_load %arg8[%get3A_833, %get3A_834] {strides = array<i32>} : memref<512x32xf32, #tpu.memory_space<vmem>>, vector<1x16xf32>,
    %get3A_836 = vector.shape_cast %get3A_835 : vector<1x16xf32> to vector<16xf32>
    %get3A_837 = arith.index_cast %add3A_832 : i32 to index
    %get3A_838 = arith.constant 16 : index
    %get3A_839 = tpu.vector_load %arg8[%get3A_837, %get3A_838] {strides = array<i32>} : memref<512x32xf32, #tpu.memory_space<vmem>>, vector<1x16xf32>,
    %get3A_840 = vector.shape_cast %get3A_839 : vector<1x16xf32> to vector<16xf32>
    %get3A_841 = arith.index_cast %add3A_832 : i32 to index
    %get3A_842 = arith.constant 0 : index
    %get3A_843 = tpu.vector_load %arg9[%get3A_841, %get3A_842] {strides = array<i32>} : memref<512x32xf32, #tpu.memory_space<vmem>>, vector<1x16xf32>,
    %get3A_844 = vector.shape_cast %get3A_843 : vector<1x16xf32> to vector<16xf32>
    %get3A_845 = arith.index_cast %add3A_832 : i32 to index
    %get3A_846 = arith.constant 16 : index
    %get3A_847 = tpu.vector_load %arg9[%get3A_845, %get3A_846] {strides = array<i32>} : memref<512x32xf32, #tpu.memory_space<vmem>>, vector<1x16xf32>,
    %get3A_848 = vector.shape_cast %get3A_847 : vector<1x16xf32> to vector<16xf32>
    %mul3A_849 = arith.mulf %get3A_836, %get3A_844 : vector<16xf32>
    %mul3A_850 = arith.mulf %get3A_840, %get3A_848 : vector<16xf32>
    %add3A_851 = arith.addf %mul3A_849, %mul3A_850 : vector<16xf32>
    %xor3A_852 = arith.constant 8 : i32
    %xor3A_853 = vector.broadcast %xor3A_852 : i32 to vector<16xi32>
    %xor3A_854 = arith.xori %iota3A, %xor3A_853 : vector<16xi32>
    %lt3A_855 = arith.constant 0 : i32
    %lt3A_856 = vector.broadcast %lt3A_855 : i32 to vector<16xi32>
    %lt3A_857 = arith.cmpi slt, %xor3A_854, %lt3A_856 : vector<16xi32>
    %add3A_858 = arith.constant 16 : i32
    %add3A_859 = vector.broadcast %add3A_858 : i32 to vector<16xi32>
    %add3A_860 = arith.addi %xor3A_854, %add3A_859 : vector<16xi32>
    %select_n3A_861 = arith.select %lt3A_857, %add3A_860, %xor3A_854 : vector<16xi1>, vector<16xi32>
    %broadcast_in_dim3A_862 = vector.shape_cast %select_n3A_861 : vector<16xi32> to vector<16x1xi32>
    %gather3A_863 = vector.shape_cast %broadcast_in_dim3A_862 : vector<16x1xi32> to vector<16xi32>
    %gather3A_864 = tpu.dynamic_gather %add3A_851[%gather3A_863] in [0] : vector<16xf32>, vector<16xi32> -> vector<16xf32>
    %add3A_865 = arith.addf %add3A_851, %gather3A_864 : vector<16xf32>
    %xor3A_866 = arith.constant 4 : i32
    %xor3A_867 = vector.broadcast %xor3A_866 : i32 to vector<16xi32>
    %xor3A_868 = arith.xori %iota3A, %xor3A_867 : vector<16xi32>
    %lt3A_869 = arith.constant 0 : i32
    %lt3A_870 = vector.broadcast %lt3A_869 : i32 to vector<16xi32>
    %lt3A_871 = arith.cmpi slt, %xor3A_868, %lt3A_870 : vector<16xi32>
    %add3A_872 = arith.constant 16 : i32
    %add3A_873 = vector.broadcast %add3A_872 : i32 to vector<16xi32>
    %add3A_874 = arith.addi %xor3A_868, %add3A_873 : vector<16xi32>
    %select_n3A_875 = arith.select %lt3A_871, %add3A_874, %xor3A_868 : vector<16xi1>, vector<16xi32>
    %broadcast_in_dim3A_876 = vector.shape_cast %select_n3A_875 : vector<16xi32> to vector<16x1xi32>
    %gather3A_877 = vector.shape_cast %broadcast_in_dim3A_876 : vector<16x1xi32> to vector<16xi32>
    %gather3A_878 = tpu.dynamic_gather %add3A_865[%gather3A_877] in [0] : vector<16xf32>, vector<16xi32> -> vector<16xf32>
    %add3A_879 = arith.addf %add3A_865, %gather3A_878 : vector<16xf32>
    %xor3A_880 = arith.constant 2 : i32
    %xor3A_881 = vector.broadcast %xor3A_880 : i32 to vector<16xi32>
    %xor3A_882 = arith.xori %iota3A, %xor3A_881 : vector<16xi32>
    %lt3A_883 = arith.constant 0 : i32
    %lt3A_884 = vector.broadcast %lt3A_883 : i32 to vector<16xi32>
    %lt3A_885 = arith.cmpi slt, %xor3A_882, %lt3A_884 : vector<16xi32>
    %add3A_886 = arith.constant 16 : i32
    %add3A_887 = vector.broadcast %add3A_886 : i32 to vector<16xi32>
    %add3A_888 = arith.addi %xor3A_882, %add3A_887 : vector<16xi32>
    %select_n3A_889 = arith.select %lt3A_885, %add3A_888, %xor3A_882 : vector<16xi1>, vector<16xi32>
    %broadcast_in_dim3A_890 = vector.shape_cast %select_n3A_889 : vector<16xi32> to vector<16x1xi32>
    %gather3A_891 = vector.shape_cast %broadcast_in_dim3A_890 : vector<16x1xi32> to vector<16xi32>
    %gather3A_892 = tpu.dynamic_gather %add3A_879[%gather3A_891] in [0] : vector<16xf32>, vector<16xi32> -> vector<16xf32>
    %add3A_893 = arith.addf %add3A_879, %gather3A_892 : vector<16xf32>
    %xor3A_894 = arith.constant 1 : i32
    %xor3A_895 = vector.broadcast %xor3A_894 : i32 to vector<16xi32>
    %xor3A_896 = arith.xori %iota3A, %xor3A_895 : vector<16xi32>
    %lt3A_897 = arith.constant 0 : i32
    %lt3A_898 = vector.broadcast %lt3A_897 : i32 to vector<16xi32>
    %lt3A_899 = arith.cmpi slt, %xor3A_896, %lt3A_898 : vector<16xi32>
    %add3A_900 = arith.constant 16 : i32
    %add3A_901 = vector.broadcast %add3A_900 : i32 to vector<16xi32>
    %add3A_902 = arith.addi %xor3A_896, %add3A_901 : vector<16xi32>
    %select_n3A_903 = arith.select %lt3A_899, %add3A_902, %xor3A_896 : vector<16xi1>, vector<16xi32>
    %broadcast_in_dim3A_904 = vector.shape_cast %select_n3A_903 : vector<16xi32> to vector<16x1xi32>
    %gather3A_905 = vector.shape_cast %broadcast_in_dim3A_904 : vector<16x1xi32> to vector<16xi32>
    %gather3A_906 = tpu.dynamic_gather %add3A_893[%gather3A_905] in [0] : vector<16xf32>, vector<16xi32> -> vector<16xf32>
    %add3A_907 = arith.addf %add3A_893, %gather3A_906 : vector<16xf32>
    %eq3A_908 = arith.constant 10 : i32
    %eq3A_909 = vector.broadcast %eq3A_908 : i32 to vector<16xi32>
    %eq3A_910 = arith.cmpi eq, %iota3A, %eq3A_909 : vector<16xi32>
    %select_n3A_911 = arith.select %eq3A_910, %add3A_907, %select_n3A_828 : vector<16xi1>, vector<16xf32>
    %mul3A_912 = arith.constant 16 : i32
    %mul3A_913 = arith.muli %scan3A_3, %mul3A_912 : i32
    %add3A_914 = arith.constant 11 : i32
    %add3A_915 = arith.addi %mul3A_913, %add3A_914 : i32
    %get3A_916 = arith.index_cast %add3A_915 : i32 to index
    %get3A_917 = arith.constant 0 : index
    %get3A_918 = tpu.vector_load %arg8[%get3A_916, %get3A_917] {strides = array<i32>} : memref<512x32xf32, #tpu.memory_space<vmem>>, vector<1x16xf32>,
    %get3A_919 = vector.shape_cast %get3A_918 : vector<1x16xf32> to vector<16xf32>
    %get3A_920 = arith.index_cast %add3A_915 : i32 to index
    %get3A_921 = arith.constant 16 : index
    %get3A_922 = tpu.vector_load %arg8[%get3A_920, %get3A_921] {strides = array<i32>} : memref<512x32xf32, #tpu.memory_space<vmem>>, vector<1x16xf32>,
    %get3A_923 = vector.shape_cast %get3A_922 : vector<1x16xf32> to vector<16xf32>
    %get3A_924 = arith.index_cast %add3A_915 : i32 to index
    %get3A_925 = arith.constant 0 : index
    %get3A_926 = tpu.vector_load %arg9[%get3A_924, %get3A_925] {strides = array<i32>} : memref<512x32xf32, #tpu.memory_space<vmem>>, vector<1x16xf32>,
    %get3A_927 = vector.shape_cast %get3A_926 : vector<1x16xf32> to vector<16xf32>
    %get3A_928 = arith.index_cast %add3A_915 : i32 to index
    %get3A_929 = arith.constant 16 : index
    %get3A_930 = tpu.vector_load %arg9[%get3A_928, %get3A_929] {strides = array<i32>} : memref<512x32xf32, #tpu.memory_space<vmem>>, vector<1x16xf32>,
    %get3A_931 = vector.shape_cast %get3A_930 : vector<1x16xf32> to vector<16xf32>
    %mul3A_932 = arith.mulf %get3A_919, %get3A_927 : vector<16xf32>
    %mul3A_933 = arith.mulf %get3A_923, %get3A_931 : vector<16xf32>
    %add3A_934 = arith.addf %mul3A_932, %mul3A_933 : vector<16xf32>
    %xor3A_935 = arith.constant 8 : i32
    %xor3A_936 = vector.broadcast %xor3A_935 : i32 to vector<16xi32>
    %xor3A_937 = arith.xori %iota3A, %xor3A_936 : vector<16xi32>
    %lt3A_938 = arith.constant 0 : i32
    %lt3A_939 = vector.broadcast %lt3A_938 : i32 to vector<16xi32>
    %lt3A_940 = arith.cmpi slt, %xor3A_937, %lt3A_939 : vector<16xi32>
    %add3A_941 = arith.constant 16 : i32
    %add3A_942 = vector.broadcast %add3A_941 : i32 to vector<16xi32>
    %add3A_943 = arith.addi %xor3A_937, %add3A_942 : vector<16xi32>
    %select_n3A_944 = arith.select %lt3A_940, %add3A_943, %xor3A_937 : vector<16xi1>, vector<16xi32>
    %broadcast_in_dim3A_945 = vector.shape_cast %select_n3A_944 : vector<16xi32> to vector<16x1xi32>
    %gather3A_946 = vector.shape_cast %broadcast_in_dim3A_945 : vector<16x1xi32> to vector<16xi32>
    %gather3A_947 = tpu.dynamic_gather %add3A_934[%gather3A_946] in [0] : vector<16xf32>, vector<16xi32> -> vector<16xf32>
    %add3A_948 = arith.addf %add3A_934, %gather3A_947 : vector<16xf32>
    %xor3A_949 = arith.constant 4 : i32
    %xor3A_950 = vector.broadcast %xor3A_949 : i32 to vector<16xi32>
    %xor3A_951 = arith.xori %iota3A, %xor3A_950 : vector<16xi32>
    %lt3A_952 = arith.constant 0 : i32
    %lt3A_953 = vector.broadcast %lt3A_952 : i32 to vector<16xi32>
    %lt3A_954 = arith.cmpi slt, %xor3A_951, %lt3A_953 : vector<16xi32>
    %add3A_955 = arith.constant 16 : i32
    %add3A_956 = vector.broadcast %add3A_955 : i32 to vector<16xi32>
    %add3A_957 = arith.addi %xor3A_951, %add3A_956 : vector<16xi32>
    %select_n3A_958 = arith.select %lt3A_954, %add3A_957, %xor3A_951 : vector<16xi1>, vector<16xi32>
    %broadcast_in_dim3A_959 = vector.shape_cast %select_n3A_958 : vector<16xi32> to vector<16x1xi32>
    %gather3A_960 = vector.shape_cast %broadcast_in_dim3A_959 : vector<16x1xi32> to vector<16xi32>
    %gather3A_961 = tpu.dynamic_gather %add3A_948[%gather3A_960] in [0] : vector<16xf32>, vector<16xi32> -> vector<16xf32>
    %add3A_962 = arith.addf %add3A_948, %gather3A_961 : vector<16xf32>
    %xor3A_963 = arith.constant 2 : i32
    %xor3A_964 = vector.broadcast %xor3A_963 : i32 to vector<16xi32>
    %xor3A_965 = arith.xori %iota3A, %xor3A_964 : vector<16xi32>
    %lt3A_966 = arith.constant 0 : i32
    %lt3A_967 = vector.broadcast %lt3A_966 : i32 to vector<16xi32>
    %lt3A_968 = arith.cmpi slt, %xor3A_965, %lt3A_967 : vector<16xi32>
    %add3A_969 = arith.constant 16 : i32
    %add3A_970 = vector.broadcast %add3A_969 : i32 to vector<16xi32>
    %add3A_971 = arith.addi %xor3A_965, %add3A_970 : vector<16xi32>
    %select_n3A_972 = arith.select %lt3A_968, %add3A_971, %xor3A_965 : vector<16xi1>, vector<16xi32>
    %broadcast_in_dim3A_973 = vector.shape_cast %select_n3A_972 : vector<16xi32> to vector<16x1xi32>
    %gather3A_974 = vector.shape_cast %broadcast_in_dim3A_973 : vector<16x1xi32> to vector<16xi32>
    %gather3A_975 = tpu.dynamic_gather %add3A_962[%gather3A_974] in [0] : vector<16xf32>, vector<16xi32> -> vector<16xf32>
    %add3A_976 = arith.addf %add3A_962, %gather3A_975 : vector<16xf32>
    %xor3A_977 = arith.constant 1 : i32
    %xor3A_978 = vector.broadcast %xor3A_977 : i32 to vector<16xi32>
    %xor3A_979 = arith.xori %iota3A, %xor3A_978 : vector<16xi32>
    %lt3A_980 = arith.constant 0 : i32
    %lt3A_981 = vector.broadcast %lt3A_980 : i32 to vector<16xi32>
    %lt3A_982 = arith.cmpi slt, %xor3A_979, %lt3A_981 : vector<16xi32>
    %add3A_983 = arith.constant 16 : i32
    %add3A_984 = vector.broadcast %add3A_983 : i32 to vector<16xi32>
    %add3A_985 = arith.addi %xor3A_979, %add3A_984 : vector<16xi32>
    %select_n3A_986 = arith.select %lt3A_982, %add3A_985, %xor3A_979 : vector<16xi1>, vector<16xi32>
    %broadcast_in_dim3A_987 = vector.shape_cast %select_n3A_986 : vector<16xi32> to vector<16x1xi32>
    %gather3A_988 = vector.shape_cast %broadcast_in_dim3A_987 : vector<16x1xi32> to vector<16xi32>
    %gather3A_989 = tpu.dynamic_gather %add3A_976[%gather3A_988] in [0] : vector<16xf32>, vector<16xi32> -> vector<16xf32>
    %add3A_990 = arith.addf %add3A_976, %gather3A_989 : vector<16xf32>
    %eq3A_991 = arith.constant 11 : i32
    %eq3A_992 = vector.broadcast %eq3A_991 : i32 to vector<16xi32>
    %eq3A_993 = arith.cmpi eq, %iota3A, %eq3A_992 : vector<16xi32>
    %select_n3A_994 = arith.select %eq3A_993, %add3A_990, %select_n3A_911 : vector<16xi1>, vector<16xf32>
    %mul3A_995 = arith.constant 16 : i32
    %mul3A_996 = arith.muli %scan3A_3, %mul3A_995 : i32
    %add3A_997 = arith.constant 12 : i32
    %add3A_998 = arith.addi %mul3A_996, %add3A_997 : i32
    %get3A_999 = arith.index_cast %add3A_998 : i32 to index
    %get3A_1000 = arith.constant 0 : index
    %get3A_1001 = tpu.vector_load %arg8[%get3A_999, %get3A_1000] {strides = array<i32>} : memref<512x32xf32, #tpu.memory_space<vmem>>, vector<1x16xf32>,
    %get3A_1002 = vector.shape_cast %get3A_1001 : vector<1x16xf32> to vector<16xf32>
    %get3A_1003 = arith.index_cast %add3A_998 : i32 to index
    %get3A_1004 = arith.constant 16 : index
    %get3A_1005 = tpu.vector_load %arg8[%get3A_1003, %get3A_1004] {strides = array<i32>} : memref<512x32xf32, #tpu.memory_space<vmem>>, vector<1x16xf32>,
    %get3A_1006 = vector.shape_cast %get3A_1005 : vector<1x16xf32> to vector<16xf32>
    %get3A_1007 = arith.index_cast %add3A_998 : i32 to index
    %get3A_1008 = arith.constant 0 : index
    %get3A_1009 = tpu.vector_load %arg9[%get3A_1007, %get3A_1008] {strides = array<i32>} : memref<512x32xf32, #tpu.memory_space<vmem>>, vector<1x16xf32>,
    %get3A_1010 = vector.shape_cast %get3A_1009 : vector<1x16xf32> to vector<16xf32>
    %get3A_1011 = arith.index_cast %add3A_998 : i32 to index
    %get3A_1012 = arith.constant 16 : index
    %get3A_1013 = tpu.vector_load %arg9[%get3A_1011, %get3A_1012] {strides = array<i32>} : memref<512x32xf32, #tpu.memory_space<vmem>>, vector<1x16xf32>,
    %get3A_1014 = vector.shape_cast %get3A_1013 : vector<1x16xf32> to vector<16xf32>
    %mul3A_1015 = arith.mulf %get3A_1002, %get3A_1010 : vector<16xf32>
    %mul3A_1016 = arith.mulf %get3A_1006, %get3A_1014 : vector<16xf32>
    %add3A_1017 = arith.addf %mul3A_1015, %mul3A_1016 : vector<16xf32>
    %xor3A_1018 = arith.constant 8 : i32
    %xor3A_1019 = vector.broadcast %xor3A_1018 : i32 to vector<16xi32>
    %xor3A_1020 = arith.xori %iota3A, %xor3A_1019 : vector<16xi32>
    %lt3A_1021 = arith.constant 0 : i32
    %lt3A_1022 = vector.broadcast %lt3A_1021 : i32 to vector<16xi32>
    %lt3A_1023 = arith.cmpi slt, %xor3A_1020, %lt3A_1022 : vector<16xi32>
    %add3A_1024 = arith.constant 16 : i32
    %add3A_1025 = vector.broadcast %add3A_1024 : i32 to vector<16xi32>
    %add3A_1026 = arith.addi %xor3A_1020, %add3A_1025 : vector<16xi32>
    %select_n3A_1027 = arith.select %lt3A_1023, %add3A_1026, %xor3A_1020 : vector<16xi1>, vector<16xi32>
    %broadcast_in_dim3A_1028 = vector.shape_cast %select_n3A_1027 : vector<16xi32> to vector<16x1xi32>
    %gather3A_1029 = vector.shape_cast %broadcast_in_dim3A_1028 : vector<16x1xi32> to vector<16xi32>
    %gather3A_1030 = tpu.dynamic_gather %add3A_1017[%gather3A_1029] in [0] : vector<16xf32>, vector<16xi32> -> vector<16xf32>
    %add3A_1031 = arith.addf %add3A_1017, %gather3A_1030 : vector<16xf32>
    %xor3A_1032 = arith.constant 4 : i32
    %xor3A_1033 = vector.broadcast %xor3A_1032 : i32 to vector<16xi32>
    %xor3A_1034 = arith.xori %iota3A, %xor3A_1033 : vector<16xi32>
    %lt3A_1035 = arith.constant 0 : i32
    %lt3A_1036 = vector.broadcast %lt3A_1035 : i32 to vector<16xi32>
    %lt3A_1037 = arith.cmpi slt, %xor3A_1034, %lt3A_1036 : vector<16xi32>
    %add3A_1038 = arith.constant 16 : i32
    %add3A_1039 = vector.broadcast %add3A_1038 : i32 to vector<16xi32>
    %add3A_1040 = arith.addi %xor3A_1034, %add3A_1039 : vector<16xi32>
    %select_n3A_1041 = arith.select %lt3A_1037, %add3A_1040, %xor3A_1034 : vector<16xi1>, vector<16xi32>
    %broadcast_in_dim3A_1042 = vector.shape_cast %select_n3A_1041 : vector<16xi32> to vector<16x1xi32>
    %gather3A_1043 = vector.shape_cast %broadcast_in_dim3A_1042 : vector<16x1xi32> to vector<16xi32>
    %gather3A_1044 = tpu.dynamic_gather %add3A_1031[%gather3A_1043] in [0] : vector<16xf32>, vector<16xi32> -> vector<16xf32>
    %add3A_1045 = arith.addf %add3A_1031, %gather3A_1044 : vector<16xf32>
    %xor3A_1046 = arith.constant 2 : i32
    %xor3A_1047 = vector.broadcast %xor3A_1046 : i32 to vector<16xi32>
    %xor3A_1048 = arith.xori %iota3A, %xor3A_1047 : vector<16xi32>
    %lt3A_1049 = arith.constant 0 : i32
    %lt3A_1050 = vector.broadcast %lt3A_1049 : i32 to vector<16xi32>
    %lt3A_1051 = arith.cmpi slt, %xor3A_1048, %lt3A_1050 : vector<16xi32>
    %add3A_1052 = arith.constant 16 : i32
    %add3A_1053 = vector.broadcast %add3A_1052 : i32 to vector<16xi32>
    %add3A_1054 = arith.addi %xor3A_1048, %add3A_1053 : vector<16xi32>
    %select_n3A_1055 = arith.select %lt3A_1051, %add3A_1054, %xor3A_1048 : vector<16xi1>, vector<16xi32>
    %broadcast_in_dim3A_1056 = vector.shape_cast %select_n3A_1055 : vector<16xi32> to vector<16x1xi32>
    %gather3A_1057 = vector.shape_cast %broadcast_in_dim3A_1056 : vector<16x1xi32> to vector<16xi32>
    %gather3A_1058 = tpu.dynamic_gather %add3A_1045[%gather3A_1057] in [0] : vector<16xf32>, vector<16xi32> -> vector<16xf32>
    %add3A_1059 = arith.addf %add3A_1045, %gather3A_1058 : vector<16xf32>
    %xor3A_1060 = arith.constant 1 : i32
    %xor3A_1061 = vector.broadcast %xor3A_1060 : i32 to vector<16xi32>
    %xor3A_1062 = arith.xori %iota3A, %xor3A_1061 : vector<16xi32>
    %lt3A_1063 = arith.constant 0 : i32
    %lt3A_1064 = vector.broadcast %lt3A_1063 : i32 to vector<16xi32>
    %lt3A_1065 = arith.cmpi slt, %xor3A_1062, %lt3A_1064 : vector<16xi32>
    %add3A_1066 = arith.constant 16 : i32
    %add3A_1067 = vector.broadcast %add3A_1066 : i32 to vector<16xi32>
    %add3A_1068 = arith.addi %xor3A_1062, %add3A_1067 : vector<16xi32>
    %select_n3A_1069 = arith.select %lt3A_1065, %add3A_1068, %xor3A_1062 : vector<16xi1>, vector<16xi32>
    %broadcast_in_dim3A_1070 = vector.shape_cast %select_n3A_1069 : vector<16xi32> to vector<16x1xi32>
    %gather3A_1071 = vector.shape_cast %broadcast_in_dim3A_1070 : vector<16x1xi32> to vector<16xi32>
    %gather3A_1072 = tpu.dynamic_gather %add3A_1059[%gather3A_1071] in [0] : vector<16xf32>, vector<16xi32> -> vector<16xf32>
    %add3A_1073 = arith.addf %add3A_1059, %gather3A_1072 : vector<16xf32>
    %eq3A_1074 = arith.constant 12 : i32
    %eq3A_1075 = vector.broadcast %eq3A_1074 : i32 to vector<16xi32>
    %eq3A_1076 = arith.cmpi eq, %iota3A, %eq3A_1075 : vector<16xi32>
    %select_n3A_1077 = arith.select %eq3A_1076, %add3A_1073, %select_n3A_994 : vector<16xi1>, vector<16xf32>
    %mul3A_1078 = arith.constant 16 : i32
    %mul3A_1079 = arith.muli %scan3A_3, %mul3A_1078 : i32
    %add3A_1080 = arith.constant 13 : i32
    %add3A_1081 = arith.addi %mul3A_1079, %add3A_1080 : i32
    %get3A_1082 = arith.index_cast %add3A_1081 : i32 to index
    %get3A_1083 = arith.constant 0 : index
    %get3A_1084 = tpu.vector_load %arg8[%get3A_1082, %get3A_1083] {strides = array<i32>} : memref<512x32xf32, #tpu.memory_space<vmem>>, vector<1x16xf32>,
    %get3A_1085 = vector.shape_cast %get3A_1084 : vector<1x16xf32> to vector<16xf32>
    %get3A_1086 = arith.index_cast %add3A_1081 : i32 to index
    %get3A_1087 = arith.constant 16 : index
    %get3A_1088 = tpu.vector_load %arg8[%get3A_1086, %get3A_1087] {strides = array<i32>} : memref<512x32xf32, #tpu.memory_space<vmem>>, vector<1x16xf32>,
    %get3A_1089 = vector.shape_cast %get3A_1088 : vector<1x16xf32> to vector<16xf32>
    %get3A_1090 = arith.index_cast %add3A_1081 : i32 to index
    %get3A_1091 = arith.constant 0 : index
    %get3A_1092 = tpu.vector_load %arg9[%get3A_1090, %get3A_1091] {strides = array<i32>} : memref<512x32xf32, #tpu.memory_space<vmem>>, vector<1x16xf32>,
    %get3A_1093 = vector.shape_cast %get3A_1092 : vector<1x16xf32> to vector<16xf32>
    %get3A_1094 = arith.index_cast %add3A_1081 : i32 to index
    %get3A_1095 = arith.constant 16 : index
    %get3A_1096 = tpu.vector_load %arg9[%get3A_1094, %get3A_1095] {strides = array<i32>} : memref<512x32xf32, #tpu.memory_space<vmem>>, vector<1x16xf32>,
    %get3A_1097 = vector.shape_cast %get3A_1096 : vector<1x16xf32> to vector<16xf32>
    %mul3A_1098 = arith.mulf %get3A_1085, %get3A_1093 : vector<16xf32>
    %mul3A_1099 = arith.mulf %get3A_1089, %get3A_1097 : vector<16xf32>
    %add3A_1100 = arith.addf %mul3A_1098, %mul3A_1099 : vector<16xf32>
    %xor3A_1101 = arith.constant 8 : i32
    %xor3A_1102 = vector.broadcast %xor3A_1101 : i32 to vector<16xi32>
    %xor3A_1103 = arith.xori %iota3A, %xor3A_1102 : vector<16xi32>
    %lt3A_1104 = arith.constant 0 : i32
    %lt3A_1105 = vector.broadcast %lt3A_1104 : i32 to vector<16xi32>
    %lt3A_1106 = arith.cmpi slt, %xor3A_1103, %lt3A_1105 : vector<16xi32>
    %add3A_1107 = arith.constant 16 : i32
    %add3A_1108 = vector.broadcast %add3A_1107 : i32 to vector<16xi32>
    %add3A_1109 = arith.addi %xor3A_1103, %add3A_1108 : vector<16xi32>
    %select_n3A_1110 = arith.select %lt3A_1106, %add3A_1109, %xor3A_1103 : vector<16xi1>, vector<16xi32>
    %broadcast_in_dim3A_1111 = vector.shape_cast %select_n3A_1110 : vector<16xi32> to vector<16x1xi32>
    %gather3A_1112 = vector.shape_cast %broadcast_in_dim3A_1111 : vector<16x1xi32> to vector<16xi32>
    %gather3A_1113 = tpu.dynamic_gather %add3A_1100[%gather3A_1112] in [0] : vector<16xf32>, vector<16xi32> -> vector<16xf32>
    %add3A_1114 = arith.addf %add3A_1100, %gather3A_1113 : vector<16xf32>
    %xor3A_1115 = arith.constant 4 : i32
    %xor3A_1116 = vector.broadcast %xor3A_1115 : i32 to vector<16xi32>
    %xor3A_1117 = arith.xori %iota3A, %xor3A_1116 : vector<16xi32>
    %lt3A_1118 = arith.constant 0 : i32
    %lt3A_1119 = vector.broadcast %lt3A_1118 : i32 to vector<16xi32>
    %lt3A_1120 = arith.cmpi slt, %xor3A_1117, %lt3A_1119 : vector<16xi32>
    %add3A_1121 = arith.constant 16 : i32
    %add3A_1122 = vector.broadcast %add3A_1121 : i32 to vector<16xi32>
    %add3A_1123 = arith.addi %xor3A_1117, %add3A_1122 : vector<16xi32>
    %select_n3A_1124 = arith.select %lt3A_1120, %add3A_1123, %xor3A_1117 : vector<16xi1>, vector<16xi32>
    %broadcast_in_dim3A_1125 = vector.shape_cast %select_n3A_1124 : vector<16xi32> to vector<16x1xi32>
    %gather3A_1126 = vector.shape_cast %broadcast_in_dim3A_1125 : vector<16x1xi32> to vector<16xi32>
    %gather3A_1127 = tpu.dynamic_gather %add3A_1114[%gather3A_1126] in [0] : vector<16xf32>, vector<16xi32> -> vector<16xf32>
    %add3A_1128 = arith.addf %add3A_1114, %gather3A_1127 : vector<16xf32>
    %xor3A_1129 = arith.constant 2 : i32
    %xor3A_1130 = vector.broadcast %xor3A_1129 : i32 to vector<16xi32>
    %xor3A_1131 = arith.xori %iota3A, %xor3A_1130 : vector<16xi32>
    %lt3A_1132 = arith.constant 0 : i32
    %lt3A_1133 = vector.broadcast %lt3A_1132 : i32 to vector<16xi32>
    %lt3A_1134 = arith.cmpi slt, %xor3A_1131, %lt3A_1133 : vector<16xi32>
    %add3A_1135 = arith.constant 16 : i32
    %add3A_1136 = vector.broadcast %add3A_1135 : i32 to vector<16xi32>
    %add3A_1137 = arith.addi %xor3A_1131, %add3A_1136 : vector<16xi32>
    %select_n3A_1138 = arith.select %lt3A_1134, %add3A_1137, %xor3A_1131 : vector<16xi1>, vector<16xi32>
    %broadcast_in_dim3A_1139 = vector.shape_cast %select_n3A_1138 : vector<16xi32> to vector<16x1xi32>
    %gather3A_1140 = vector.shape_cast %broadcast_in_dim3A_1139 : vector<16x1xi32> to vector<16xi32>
    %gather3A_1141 = tpu.dynamic_gather %add3A_1128[%gather3A_1140] in [0] : vector<16xf32>, vector<16xi32> -> vector<16xf32>
    %add3A_1142 = arith.addf %add3A_1128, %gather3A_1141 : vector<16xf32>
    %xor3A_1143 = arith.constant 1 : i32
    %xor3A_1144 = vector.broadcast %xor3A_1143 : i32 to vector<16xi32>
    %xor3A_1145 = arith.xori %iota3A, %xor3A_1144 : vector<16xi32>
    %lt3A_1146 = arith.constant 0 : i32
    %lt3A_1147 = vector.broadcast %lt3A_1146 : i32 to vector<16xi32>
    %lt3A_1148 = arith.cmpi slt, %xor3A_1145, %lt3A_1147 : vector<16xi32>
    %add3A_1149 = arith.constant 16 : i32
    %add3A_1150 = vector.broadcast %add3A_1149 : i32 to vector<16xi32>
    %add3A_1151 = arith.addi %xor3A_1145, %add3A_1150 : vector<16xi32>
    %select_n3A_1152 = arith.select %lt3A_1148, %add3A_1151, %xor3A_1145 : vector<16xi1>, vector<16xi32>
    %broadcast_in_dim3A_1153 = vector.shape_cast %select_n3A_1152 : vector<16xi32> to vector<16x1xi32>
    %gather3A_1154 = vector.shape_cast %broadcast_in_dim3A_1153 : vector<16x1xi32> to vector<16xi32>
    %gather3A_1155 = tpu.dynamic_gather %add3A_1142[%gather3A_1154] in [0] : vector<16xf32>, vector<16xi32> -> vector<16xf32>
    %add3A_1156 = arith.addf %add3A_1142, %gather3A_1155 : vector<16xf32>
    %eq3A_1157 = arith.constant 13 : i32
    %eq3A_1158 = vector.broadcast %eq3A_1157 : i32 to vector<16xi32>
    %eq3A_1159 = arith.cmpi eq, %iota3A, %eq3A_1158 : vector<16xi32>
    %select_n3A_1160 = arith.select %eq3A_1159, %add3A_1156, %select_n3A_1077 : vector<16xi1>, vector<16xf32>
    %mul3A_1161 = arith.constant 16 : i32
    %mul3A_1162 = arith.muli %scan3A_3, %mul3A_1161 : i32
    %add3A_1163 = arith.constant 14 : i32
    %add3A_1164 = arith.addi %mul3A_1162, %add3A_1163 : i32
    %get3A_1165 = arith.index_cast %add3A_1164 : i32 to index
    %get3A_1166 = arith.constant 0 : index
    %get3A_1167 = tpu.vector_load %arg8[%get3A_1165, %get3A_1166] {strides = array<i32>} : memref<512x32xf32, #tpu.memory_space<vmem>>, vector<1x16xf32>,
    %get3A_1168 = vector.shape_cast %get3A_1167 : vector<1x16xf32> to vector<16xf32>
    %get3A_1169 = arith.index_cast %add3A_1164 : i32 to index
    %get3A_1170 = arith.constant 16 : index
    %get3A_1171 = tpu.vector_load %arg8[%get3A_1169, %get3A_1170] {strides = array<i32>} : memref<512x32xf32, #tpu.memory_space<vmem>>, vector<1x16xf32>,
    %get3A_1172 = vector.shape_cast %get3A_1171 : vector<1x16xf32> to vector<16xf32>
    %get3A_1173 = arith.index_cast %add3A_1164 : i32 to index
    %get3A_1174 = arith.constant 0 : index
    %get3A_1175 = tpu.vector_load %arg9[%get3A_1173, %get3A_1174] {strides = array<i32>} : memref<512x32xf32, #tpu.memory_space<vmem>>, vector<1x16xf32>,
    %get3A_1176 = vector.shape_cast %get3A_1175 : vector<1x16xf32> to vector<16xf32>
    %get3A_1177 = arith.index_cast %add3A_1164 : i32 to index
    %get3A_1178 = arith.constant 16 : index
    %get3A_1179 = tpu.vector_load %arg9[%get3A_1177, %get3A_1178] {strides = array<i32>} : memref<512x32xf32, #tpu.memory_space<vmem>>, vector<1x16xf32>,
    %get3A_1180 = vector.shape_cast %get3A_1179 : vector<1x16xf32> to vector<16xf32>
    %mul3A_1181 = arith.mulf %get3A_1168, %get3A_1176 : vector<16xf32>
    %mul3A_1182 = arith.mulf %get3A_1172, %get3A_1180 : vector<16xf32>
    %add3A_1183 = arith.addf %mul3A_1181, %mul3A_1182 : vector<16xf32>
    %xor3A_1184 = arith.constant 8 : i32
    %xor3A_1185 = vector.broadcast %xor3A_1184 : i32 to vector<16xi32>
    %xor3A_1186 = arith.xori %iota3A, %xor3A_1185 : vector<16xi32>
    %lt3A_1187 = arith.constant 0 : i32
    %lt3A_1188 = vector.broadcast %lt3A_1187 : i32 to vector<16xi32>
    %lt3A_1189 = arith.cmpi slt, %xor3A_1186, %lt3A_1188 : vector<16xi32>
    %add3A_1190 = arith.constant 16 : i32
    %add3A_1191 = vector.broadcast %add3A_1190 : i32 to vector<16xi32>
    %add3A_1192 = arith.addi %xor3A_1186, %add3A_1191 : vector<16xi32>
    %select_n3A_1193 = arith.select %lt3A_1189, %add3A_1192, %xor3A_1186 : vector<16xi1>, vector<16xi32>
    %broadcast_in_dim3A_1194 = vector.shape_cast %select_n3A_1193 : vector<16xi32> to vector<16x1xi32>
    %gather3A_1195 = vector.shape_cast %broadcast_in_dim3A_1194 : vector<16x1xi32> to vector<16xi32>
    %gather3A_1196 = tpu.dynamic_gather %add3A_1183[%gather3A_1195] in [0] : vector<16xf32>, vector<16xi32> -> vector<16xf32>
    %add3A_1197 = arith.addf %add3A_1183, %gather3A_1196 : vector<16xf32>
    %xor3A_1198 = arith.constant 4 : i32
    %xor3A_1199 = vector.broadcast %xor3A_1198 : i32 to vector<16xi32>
    %xor3A_1200 = arith.xori %iota3A, %xor3A_1199 : vector<16xi32>
    %lt3A_1201 = arith.constant 0 : i32
    %lt3A_1202 = vector.broadcast %lt3A_1201 : i32 to vector<16xi32>
    %lt3A_1203 = arith.cmpi slt, %xor3A_1200, %lt3A_1202 : vector<16xi32>
    %add3A_1204 = arith.constant 16 : i32
    %add3A_1205 = vector.broadcast %add3A_1204 : i32 to vector<16xi32>
    %add3A_1206 = arith.addi %xor3A_1200, %add3A_1205 : vector<16xi32>
    %select_n3A_1207 = arith.select %lt3A_1203, %add3A_1206, %xor3A_1200 : vector<16xi1>, vector<16xi32>
    %broadcast_in_dim3A_1208 = vector.shape_cast %select_n3A_1207 : vector<16xi32> to vector<16x1xi32>
    %gather3A_1209 = vector.shape_cast %broadcast_in_dim3A_1208 : vector<16x1xi32> to vector<16xi32>
    %gather3A_1210 = tpu.dynamic_gather %add3A_1197[%gather3A_1209] in [0] : vector<16xf32>, vector<16xi32> -> vector<16xf32>
    %add3A_1211 = arith.addf %add3A_1197, %gather3A_1210 : vector<16xf32>
    %xor3A_1212 = arith.constant 2 : i32
    %xor3A_1213 = vector.broadcast %xor3A_1212 : i32 to vector<16xi32>
    %xor3A_1214 = arith.xori %iota3A, %xor3A_1213 : vector<16xi32>
    %lt3A_1215 = arith.constant 0 : i32
    %lt3A_1216 = vector.broadcast %lt3A_1215 : i32 to vector<16xi32>
    %lt3A_1217 = arith.cmpi slt, %xor3A_1214, %lt3A_1216 : vector<16xi32>
    %add3A_1218 = arith.constant 16 : i32
    %add3A_1219 = vector.broadcast %add3A_1218 : i32 to vector<16xi32>
    %add3A_1220 = arith.addi %xor3A_1214, %add3A_1219 : vector<16xi32>
    %select_n3A_1221 = arith.select %lt3A_1217, %add3A_1220, %xor3A_1214 : vector<16xi1>, vector<16xi32>
    %broadcast_in_dim3A_1222 = vector.shape_cast %select_n3A_1221 : vector<16xi32> to vector<16x1xi32>
    %gather3A_1223 = vector.shape_cast %broadcast_in_dim3A_1222 : vector<16x1xi32> to vector<16xi32>
    %gather3A_1224 = tpu.dynamic_gather %add3A_1211[%gather3A_1223] in [0] : vector<16xf32>, vector<16xi32> -> vector<16xf32>
    %add3A_1225 = arith.addf %add3A_1211, %gather3A_1224 : vector<16xf32>
    %xor3A_1226 = arith.constant 1 : i32
    %xor3A_1227 = vector.broadcast %xor3A_1226 : i32 to vector<16xi32>
    %xor3A_1228 = arith.xori %iota3A, %xor3A_1227 : vector<16xi32>
    %lt3A_1229 = arith.constant 0 : i32
    %lt3A_1230 = vector.broadcast %lt3A_1229 : i32 to vector<16xi32>
    %lt3A_1231 = arith.cmpi slt, %xor3A_1228, %lt3A_1230 : vector<16xi32>
    %add3A_1232 = arith.constant 16 : i32
    %add3A_1233 = vector.broadcast %add3A_1232 : i32 to vector<16xi32>
    %add3A_1234 = arith.addi %xor3A_1228, %add3A_1233 : vector<16xi32>
    %select_n3A_1235 = arith.select %lt3A_1231, %add3A_1234, %xor3A_1228 : vector<16xi1>, vector<16xi32>
    %broadcast_in_dim3A_1236 = vector.shape_cast %select_n3A_1235 : vector<16xi32> to vector<16x1xi32>
    %gather3A_1237 = vector.shape_cast %broadcast_in_dim3A_1236 : vector<16x1xi32> to vector<16xi32>
    %gather3A_1238 = tpu.dynamic_gather %add3A_1225[%gather3A_1237] in [0] : vector<16xf32>, vector<16xi32> -> vector<16xf32>
    %add3A_1239 = arith.addf %add3A_1225, %gather3A_1238 : vector<16xf32>
    %eq3A_1240 = arith.constant 14 : i32
    %eq3A_1241 = vector.broadcast %eq3A_1240 : i32 to vector<16xi32>
    %eq3A_1242 = arith.cmpi eq, %iota3A, %eq3A_1241 : vector<16xi32>
    %select_n3A_1243 = arith.select %eq3A_1242, %add3A_1239, %select_n3A_1160 : vector<16xi1>, vector<16xf32>
    %mul3A_1244 = arith.constant 16 : i32
    %mul3A_1245 = arith.muli %scan3A_3, %mul3A_1244 : i32
    %add3A_1246 = arith.constant 15 : i32
    %add3A_1247 = arith.addi %mul3A_1245, %add3A_1246 : i32
    %get3A_1248 = arith.index_cast %add3A_1247 : i32 to index
    %get3A_1249 = arith.constant 0 : index
    %get3A_1250 = tpu.vector_load %arg8[%get3A_1248, %get3A_1249] {strides = array<i32>} : memref<512x32xf32, #tpu.memory_space<vmem>>, vector<1x16xf32>,
    %get3A_1251 = vector.shape_cast %get3A_1250 : vector<1x16xf32> to vector<16xf32>
    %get3A_1252 = arith.index_cast %add3A_1247 : i32 to index
    %get3A_1253 = arith.constant 16 : index
    %get3A_1254 = tpu.vector_load %arg8[%get3A_1252, %get3A_1253] {strides = array<i32>} : memref<512x32xf32, #tpu.memory_space<vmem>>, vector<1x16xf32>,
    %get3A_1255 = vector.shape_cast %get3A_1254 : vector<1x16xf32> to vector<16xf32>
    %get3A_1256 = arith.index_cast %add3A_1247 : i32 to index
    %get3A_1257 = arith.constant 0 : index
    %get3A_1258 = tpu.vector_load %arg9[%get3A_1256, %get3A_1257] {strides = array<i32>} : memref<512x32xf32, #tpu.memory_space<vmem>>, vector<1x16xf32>,
    %get3A_1259 = vector.shape_cast %get3A_1258 : vector<1x16xf32> to vector<16xf32>
    %get3A_1260 = arith.index_cast %add3A_1247 : i32 to index
    %get3A_1261 = arith.constant 16 : index
    %get3A_1262 = tpu.vector_load %arg9[%get3A_1260, %get3A_1261] {strides = array<i32>} : memref<512x32xf32, #tpu.memory_space<vmem>>, vector<1x16xf32>,
    %get3A_1263 = vector.shape_cast %get3A_1262 : vector<1x16xf32> to vector<16xf32>
    %mul3A_1264 = arith.mulf %get3A_1251, %get3A_1259 : vector<16xf32>
    %mul3A_1265 = arith.mulf %get3A_1255, %get3A_1263 : vector<16xf32>
    %add3A_1266 = arith.addf %mul3A_1264, %mul3A_1265 : vector<16xf32>
    %xor3A_1267 = arith.constant 8 : i32
    %xor3A_1268 = vector.broadcast %xor3A_1267 : i32 to vector<16xi32>
    %xor3A_1269 = arith.xori %iota3A, %xor3A_1268 : vector<16xi32>
    %lt3A_1270 = arith.constant 0 : i32
    %lt3A_1271 = vector.broadcast %lt3A_1270 : i32 to vector<16xi32>
    %lt3A_1272 = arith.cmpi slt, %xor3A_1269, %lt3A_1271 : vector<16xi32>
    %add3A_1273 = arith.constant 16 : i32
    %add3A_1274 = vector.broadcast %add3A_1273 : i32 to vector<16xi32>
    %add3A_1275 = arith.addi %xor3A_1269, %add3A_1274 : vector<16xi32>
    %select_n3A_1276 = arith.select %lt3A_1272, %add3A_1275, %xor3A_1269 : vector<16xi1>, vector<16xi32>
    %broadcast_in_dim3A_1277 = vector.shape_cast %select_n3A_1276 : vector<16xi32> to vector<16x1xi32>
    %gather3A_1278 = vector.shape_cast %broadcast_in_dim3A_1277 : vector<16x1xi32> to vector<16xi32>
    %gather3A_1279 = tpu.dynamic_gather %add3A_1266[%gather3A_1278] in [0] : vector<16xf32>, vector<16xi32> -> vector<16xf32>
    %add3A_1280 = arith.addf %add3A_1266, %gather3A_1279 : vector<16xf32>
    %xor3A_1281 = arith.constant 4 : i32
    %xor3A_1282 = vector.broadcast %xor3A_1281 : i32 to vector<16xi32>
    %xor3A_1283 = arith.xori %iota3A, %xor3A_1282 : vector<16xi32>
    %lt3A_1284 = arith.constant 0 : i32
    %lt3A_1285 = vector.broadcast %lt3A_1284 : i32 to vector<16xi32>
    %lt3A_1286 = arith.cmpi slt, %xor3A_1283, %lt3A_1285 : vector<16xi32>
    %add3A_1287 = arith.constant 16 : i32
    %add3A_1288 = vector.broadcast %add3A_1287 : i32 to vector<16xi32>
    %add3A_1289 = arith.addi %xor3A_1283, %add3A_1288 : vector<16xi32>
    %select_n3A_1290 = arith.select %lt3A_1286, %add3A_1289, %xor3A_1283 : vector<16xi1>, vector<16xi32>
    %broadcast_in_dim3A_1291 = vector.shape_cast %select_n3A_1290 : vector<16xi32> to vector<16x1xi32>
    %gather3A_1292 = vector.shape_cast %broadcast_in_dim3A_1291 : vector<16x1xi32> to vector<16xi32>
    %gather3A_1293 = tpu.dynamic_gather %add3A_1280[%gather3A_1292] in [0] : vector<16xf32>, vector<16xi32> -> vector<16xf32>
    %add3A_1294 = arith.addf %add3A_1280, %gather3A_1293 : vector<16xf32>
    %xor3A_1295 = arith.constant 2 : i32
    %xor3A_1296 = vector.broadcast %xor3A_1295 : i32 to vector<16xi32>
    %xor3A_1297 = arith.xori %iota3A, %xor3A_1296 : vector<16xi32>
    %lt3A_1298 = arith.constant 0 : i32
    %lt3A_1299 = vector.broadcast %lt3A_1298 : i32 to vector<16xi32>
    %lt3A_1300 = arith.cmpi slt, %xor3A_1297, %lt3A_1299 : vector<16xi32>
    %add3A_1301 = arith.constant 16 : i32
    %add3A_1302 = vector.broadcast %add3A_1301 : i32 to vector<16xi32>
    %add3A_1303 = arith.addi %xor3A_1297, %add3A_1302 : vector<16xi32>
    %select_n3A_1304 = arith.select %lt3A_1300, %add3A_1303, %xor3A_1297 : vector<16xi1>, vector<16xi32>
    %broadcast_in_dim3A_1305 = vector.shape_cast %select_n3A_1304 : vector<16xi32> to vector<16x1xi32>
    %gather3A_1306 = vector.shape_cast %broadcast_in_dim3A_1305 : vector<16x1xi32> to vector<16xi32>
    %gather3A_1307 = tpu.dynamic_gather %add3A_1294[%gather3A_1306] in [0] : vector<16xf32>, vector<16xi32> -> vector<16xf32>
    %add3A_1308 = arith.addf %add3A_1294, %gather3A_1307 : vector<16xf32>
    %xor3A_1309 = arith.constant 1 : i32
    %xor3A_1310 = vector.broadcast %xor3A_1309 : i32 to vector<16xi32>
    %xor3A_1311 = arith.xori %iota3A, %xor3A_1310 : vector<16xi32>
    %lt3A_1312 = arith.constant 0 : i32
    %lt3A_1313 = vector.broadcast %lt3A_1312 : i32 to vector<16xi32>
    %lt3A_1314 = arith.cmpi slt, %xor3A_1311, %lt3A_1313 : vector<16xi32>
    %add3A_1315 = arith.constant 16 : i32
    %add3A_1316 = vector.broadcast %add3A_1315 : i32 to vector<16xi32>
    %add3A_1317 = arith.addi %xor3A_1311, %add3A_1316 : vector<16xi32>
    %select_n3A_1318 = arith.select %lt3A_1314, %add3A_1317, %xor3A_1311 : vector<16xi1>, vector<16xi32>
    %broadcast_in_dim3A_1319 = vector.shape_cast %select_n3A_1318 : vector<16xi32> to vector<16x1xi32>
    %gather3A_1320 = vector.shape_cast %broadcast_in_dim3A_1319 : vector<16x1xi32> to vector<16xi32>
    %gather3A_1321 = tpu.dynamic_gather %add3A_1308[%gather3A_1320] in [0] : vector<16xf32>, vector<16xi32> -> vector<16xf32>
    %add3A_1322 = arith.addf %add3A_1308, %gather3A_1321 : vector<16xf32>
    %eq3A_1323 = arith.constant 15 : i32
    %eq3A_1324 = vector.broadcast %eq3A_1323 : i32 to vector<16xi32>
    %eq3A_1325 = arith.cmpi eq, %iota3A, %eq3A_1324 : vector<16xi32>
    %select_n3A_1326 = arith.select %eq3A_1325, %add3A_1322, %select_n3A_1243 : vector<16xi1>, vector<16xf32>
    %mul3A_1327 = arith.constant 16 : i32
    %mul3A_1328 = arith.muli %scan3A_3, %mul3A_1327 : i32
    %swap3A = arith.index_cast %mul3A_1328 : i32 to index
    %swap3A_1329 = tpu.vector_load %arg10[%swap3A] {strides = array<i32>} : memref<512xf32, #tpu.memory_space<vmem>>, vector<16xf32>,
    %swap3A_1330 = vector.shape_cast %swap3A_1329 : vector<16xf32> to vector<16xf32>
    %swap3A_1331 = vector.shape_cast %select_n3A_1326 : vector<16xf32> to vector<16xf32>
    tpu.vector_store %arg10[%swap3A], %swap3A_1331 {strides = array<i32>} : memref<512xf32, #tpu.memory_space<vmem>>, vector<16xf32>,
    %neg3A = arith.constant 0.000000e+00 : f32
    %neg3A_1332 = vector.broadcast %neg3A : f32 to vector<16xf32>
    %neg3A_1333 = arith.subf %neg3A_1332, %select_n3A_1326 : vector<16xf32>
    %exp3A = math.exp %neg3A_1333 : vector<16xf32>
    %add3A_1334 = arith.constant 1.000000e+00 : f32
    %add3A_1335 = vector.broadcast %add3A_1334 : f32 to vector<16xf32>
    %add3A_1336 = arith.addf %add3A_1335, %exp3A : vector<16xf32>
    %div3A = arith.constant 1.000000e+00 : f32
    %div3A_1337 = vector.broadcast %div3A : f32 to vector<16xf32>
    %div3A_1338 = arith.divf %div3A_1337, %add3A_1336 : vector<16xf32>
    %swap3A_1339 = arith.index_cast %mul3A_1328 : i32 to index
    %swap3A_1340 = tpu.vector_load %arg11[%swap3A_1339] {strides = array<i32>} : memref<512xf32, #tpu.memory_space<vmem>>, vector<16xf32>,
    %swap3A_1341 = vector.shape_cast %swap3A_1340 : vector<16xf32> to vector<16xf32>
    %swap3A_1342 = vector.shape_cast %div3A_1338 : vector<16xf32> to vector<16xf32>
    tpu.vector_store %arg11[%swap3A_1339], %swap3A_1342 {strides = array<i32>} : memref<512xf32, #tpu.memory_space<vmem>>, vector<16xf32>,
    %scan3A_1343 = arith.constant 1 : i32
    "tpu.region"() ({
      %run_scoped3A = tpu.sem_alloc : memref<!tpu.dma_semaphore, #tpu.memory_space<semaphore_mem>>
      %dma_start3A = tpu.memref_slice %arg4[%mul3A_2] : memref<16384xf32, #tpu.memory_space<hbm>> -> memref<512xf32, #tpu.memory_space<hbm>>
      %dma_start3A_1344 = tpu.memref_slice %arg4[%mul3A_2] : memref<16384xf32, #tpu.memory_space<hbm>> -> memref<512xf32, #tpu.memory_space<hbm>>
      tpu.enqueue_dma source(%arg10 : memref<512xf32, #tpu.memory_space<vmem>>) target(%dma_start3A_1344 : memref<512xf32, #tpu.memory_space<hbm>>) target_semaphore(%run_scoped3A : memref<!tpu.dma_semaphore, #tpu.memory_space<semaphore_mem>>)
      %dma_wait3A = tpu.memref_slice %arg4[%mul3A_2] : memref<16384xf32, #tpu.memory_space<hbm>> -> memref<512xf32, #tpu.memory_space<hbm>>
      %dma_wait3A_1345 = tpu.memref_slice %arg4[%mul3A_2] : memref<16384xf32, #tpu.memory_space<hbm>> -> memref<512xf32, #tpu.memory_space<hbm>>
      tpu.wait_dma2 semaphore(%run_scoped3A : memref<!tpu.dma_semaphore, #tpu.memory_space<semaphore_mem>>) src(%arg10 : memref<512xf32, #tpu.memory_space<vmem>>) dst(%dma_wait3A_1345 : memref<512xf32, #tpu.memory_space<hbm>>)
      tpu.yield
    }) : () -> ()
    "tpu.region"() ({
      %run_scoped3A = tpu.sem_alloc : memref<!tpu.dma_semaphore, #tpu.memory_space<semaphore_mem>>
      %dma_start3A = tpu.memref_slice %arg5[%mul3A_2] : memref<16384xf32, #tpu.memory_space<hbm>> -> memref<512xf32, #tpu.memory_space<hbm>>
      %dma_start3A_1344 = tpu.memref_slice %arg5[%mul3A_2] : memref<16384xf32, #tpu.memory_space<hbm>> -> memref<512xf32, #tpu.memory_space<hbm>>
      tpu.enqueue_dma source(%arg11 : memref<512xf32, #tpu.memory_space<vmem>>) target(%dma_start3A_1344 : memref<512xf32, #tpu.memory_space<hbm>>) target_semaphore(%run_scoped3A : memref<!tpu.dma_semaphore, #tpu.memory_space<semaphore_mem>>)
      %dma_wait3A = tpu.memref_slice %arg5[%mul3A_2] : memref<16384xf32, #tpu.memory_space<hbm>> -> memref<512xf32, #tpu.memory_space<hbm>>
      %dma_wait3A_1345 = tpu.memref_slice %arg5[%mul3A_2] : memref<16384xf32, #tpu.memory_space<hbm>> -> memref<512xf32, #tpu.memory_space<hbm>>
      tpu.wait_dma2 semaphore(%run_scoped3A : memref<!tpu.dma_semaphore, #tpu.memory_space<semaphore_mem>>) src(%arg11 : memref<512xf32, #tpu.memory_space<vmem>>) dst(%dma_wait3A_1345 : memref<512xf32, #tpu.memory_space<hbm>>)
      tpu.yield
    }) : () -> ()
    return
  }
}

</mosaic_0001>

<sc_bundles>
// kernel: kernel.3.cloned.1.call-start
scs
__scs_entry_jumppad:
0x0: {  	(pc) =	sbr.rel $0x88, $3  }
0x1: {  	(tag) =	ssettag $0x0;
	lr =	simm.s32 $0x1  }
0x2: {  	[smem:$0x3F9F] =	sst lr;
	_ =	strace $0xD0000000  }
0x3: {  	_ = 	snop  }
0x4: {  	_ = 	snop  }
0x5: {  	_ = 	snop  }
0x6: {  	_ = 	snop  }
0x7: {  	_ = 	snop  }
__scs_overlays_trampoline_lowered:
0x8: {  	[smem:$0x3FAE] =	sst s0  }
0x9: {  	[smem:$0x3FAF] =	sst s1  }
0xa: {  	[smem:$0x3FB0] =	sst s2  }
0xb: {  	[smem:$0x3FB1] =	sst s3  }
0xc: {  	[smem:$0x3FB2] =	sst s4  }
0xd: {  	[smem:$0x3FB3] =	sst s5  }
0xe: {  	[smem:$0x3FB4] =	sst s6  }
0xf: {  	[smem:$0x3FB5] =	sst s7  }
0x10: {  	[smem:$0x3FB6] =	sst s8  }
0x11: {  	[smem:$0x3FB7] =	sst s9;
	s0 =	simm.s32 @!p0 $0x0  }
0x12: {  	s1 =	sld [smem:$0x3F9D];
	s0 =	simm.s32 @p0 $0x1  }
0x13: {  	[smem:$0x3FB8] =	sst s0;
	s0 =	simm.s32 @!p1 $0x0  }
0x14: {  	s2 =	sld [smem:$0x3F9C];
	s0 =	simm.s32 @p1 $0x1  }
0x15: {  	[smem:$0x3FB9] =	sst s0;
	s0 =	simm.s32 @!p2 $0x0  }
0x16: {  	s3 =	sld [smem:$0x3FDB];
	s0 =	simm.s32 @p2 $0x1  }
0x17: {  	s4 =	simm.s32 $0x1BF5;
	[smem:$0x3FBB] =	sst s0  }
0x18: {  	s0 =	sld [smem:$0x3F9E];
	_ =	swait.ge [sflag:s4], $0x0  }
0x19: {  	s7 =	sld [smem:$0x3F9F]  }
0x1a: {  	s8 =	sadd.s32 $0xFFFFE003, lr  }
0x1b: {  	s9 =	sadd.s32 $0xFFFFFEF7, lr;
	s5 =	simm.s32 $0xFFFFFFFF;
	p2 =	slt.u32 s8, $0xFFFFF086  }
0x1c: {  	p1 =	slt.u32 s9, $0xF7A;
	s5 =	simm.s32 @!p2 $0x0  }
0x1d: {  	s5 =	simm.s32 @p1 $0x1;
	p0 =	seq.s32 s7, s2  }
0x1e: {  	s7 =	smul.u32 @!p0 $0xF7A, s2;
	p2 =	seq.s32 @!p0 s5, $0x0  }
0x1f: {  	s9 =	smul.u32 $0xF7A, s1;
	s8 =	simm.s32 @!p0 $0x1BF5;
	p2 =	por !p2, p0  }
0x20: {  	[sflag:s8] =	ssyncset.s32 @!p0 $0xFFFFF086;
	s6 =	sadd.s32 @!p0 s3, s7;
	s7 =	simm.s32 @!p0 $0x108  }
0x21: {  	s3 =	sadd.s32 s3, s9;
	s6 =	sadd.s32 @!p0 $0x88, s6;
	s7 =	simm.s32 @p2 $0x1082  }
0x22: {  	[simem:s7], [sflag:s8] =	dma.local @!p0 [hbm:s6], $0xF7A  }
0x23: {  	s9 =	sor.u32 $0xD0000000, s2;
	s6 =	simm.s32 $0x108;
	_ =	swait.ge @!p0 [sflag:s8], $0x0  }
0x24: {  	s3 =	sadd.s32 $0x88, s3;
	s6 =	simm.s32 @!p1 $0x1082;
	[sflag:s4] =	ssyncset.s32 $0xFFFFF086  }
0x25: {  	[simem:s6], [sflag:s4] =	dma.local [hbm:s3], $0xF7A  }
0x26: {  	[smem:$0x3F9F] =	sst s1;
	(tag) =	ssettag s2;
	_ =	strace s9  }
0x27: {  	s1 =	sld [smem:$0x3FAF]  }
0x28: {  	s2 =	sld [smem:$0x3FB0]  }
0x29: {  	s4 =	sld [smem:$0x3FB2]  }
0x2a: {  	p0 =	seq.s32 s5, $0x0;
	s5 =	sld [smem:$0x3FB3]  }
0x2b: {  	s6 =	sld [smem:$0x3FB4]  }
0x2c: {  	s7 =	sld [smem:$0x3FB5]  }
0x2d: {  	s3 =	simm.s32 $0x108;
	s8 =	sld [smem:$0x3FB6]  }
0x2e: {  	s3 =	simm.s32 @!p0 $0x1082;
	s9 =	sld [smem:$0x3FB7]  }
0x2f: {  	lr =	sadd.s32 s0, s3;
	s0 =	sld [smem:$0x3FAE]  }
0x30: {  	s3 =	sld [smem:$0x3FB1]  }
0x31: {  	[smem:$0x3FBA] =	sst s10  }
0x32: {  	s10 =	sld [smem:$0x3FB8];
	_ =	sdelay $0x3  }
0x33: {  	p0 =	seq.s32 s10, $0x1;
	s10 =	sld [smem:$0x3FBA];
	_ =	sdelay $0x3  }
0x34: {  	[smem:$0x3FBA] =	sst s10  }
0x35: {  	s10 =	sld [smem:$0x3FB9];
	_ =	sdelay $0x3  }
0x36: {  	p1 =	seq.s32 s10, $0x1;
	s10 =	sld [smem:$0x3FBA];
	_ =	sdelay $0x3  }
0x37: {  	[smem:$0x3FBA] =	sst s10  }
0x38: {  	s10 =	sld [smem:$0x3FBB]  }
0x39: {  	_ = 	snop;
	(pc) =	sbr.ind lr, $3  }
0x3a: {  	_ = 	snop  }
0x3b: {  	_ = 	snop  }
0x3c: {  	p2 =	seq.s32 s10, $0x1;
	s10 =	sld [smem:$0x3FBA]  }
0x3d: {  	_ =	shalt  }
0x3e: {  	_ =	shalt  }
0x3f: {  	_ =	shalt  }
0x40: {  	_ =	shalt  }
0x41: {  	_ =	shalt  }
0x42: {  	_ =	shalt  }
0x43: {  	_ =	shalt  }
0x44: {  	_ =	shalt  }
0x45: {  	_ =	shalt  }
0x46: {  	_ =	shalt  }
0x47: {  	_ =	shalt  }
0x48: {  	_ =	shalt  }
0x49: {  	_ =	shalt  }
0x4a: {  	_ =	shalt  }
0x4b: {  	_ =	shalt  }
0x4c: {  	_ =	shalt  }
0x4d: {  	_ =	shalt  }
0x4e: {  	_ =	shalt  }
0x4f: {  	_ =	shalt  }
0x50: {  	_ =	shalt  }
0x51: {  	_ =	shalt  }
0x52: {  	_ =	shalt  }
0x53: {  	_ =	shalt  }
0x54: {  	_ =	shalt  }
0x55: {  	_ =	shalt  }
0x56: {  	_ =	shalt  }
0x57: {  	_ =	shalt  }
0x58: {  	_ =	shalt  }
0x59: {  	_ =	shalt  }
0x5a: {  	_ =	shalt  }
0x5b: {  	_ =	shalt  }
0x5c: {  	_ =	shalt  }
0x5d: {  	_ =	shalt  }
0x5e: {  	_ =	shalt  }
0x5f: {  	_ =	shalt  }
0x60: {  	_ =	shalt  }
0x61: {  	_ =	shalt  }
0x62: {  	_ =	shalt  }
0x63: {  	_ =	shalt  }
0x64: {  	_ =	shalt  }
0x65: {  	_ =	shalt  }
0x66: {  	_ =	shalt  }
0x67: {  	_ =	shalt  }
0x68: {  	_ =	shalt  }
0x69: {  	_ =	shalt  }
0x6a: {  	_ =	shalt  }
0x6b: {  	_ =	shalt  }
0x6c: {  	_ =	shalt  }
0x6d: {  	_ =	shalt  }
0x6e: {  	_ =	shalt  }
0x6f: {  	_ =	shalt  }
0x70: {  	_ =	shalt  }
0x71: {  	_ =	shalt  }
0x72: {  	_ =	shalt  }
0x73: {  	_ =	shalt  }
0x74: {  	_ =	shalt  }
0x75: {  	_ =	shalt  }
0x76: {  	_ =	shalt  }
0x77: {  	_ =	shalt  }
0x78: {  	_ =	shalt  }
0x79: {  	_ =	shalt  }
0x7a: {  	_ =	shalt  }
0x7b: {  	_ =	shalt  }
0x7c: {  	_ =	shalt  }
0x7d: {  	_ =	shalt  }
0x7e: {  	_ =	shalt  }
0x7f: {  	_ =	shalt  }
0x80: {  	_ =	shalt  }
0x81: {  	_ =	shalt  }
0x82: {  	_ =	shalt  }
0x83: {  	_ =	shalt  }
0x84: {  	_ =	shalt  }
0x85: {  	_ =	shalt  }
0x86: {  	_ =	shalt  }
0x87: {  	_ =	shalt  }
.Lfunc_end0:
.L_simem_size_0:
called_computation_lowered:
.L_overlay_start_0:
0x88: {  	s2 =	sld [smem:$0x3FD9]  }
0x89: {  	s3 =	sld [smem:$0x3FFE];
	_ =	sdelay $0x1  }
0x8a: {  	s1 =	srdreg.scid  }
0x8b: {  	s0 =	sand.u32 $0x1, s1  }
0x8c: {  	s15 =	sshll.u32 s0, $0xA;
	s2 =	sadd.s32 s3, s2  }
0x8d: {  	s2 =	sadd.s32 s2, s15  }
0x8e: {  	[smem:$0x3FC6] =	sst s2  }
0x8f: {  	_ = 	snop  }
0x90: {  	s2 =	sld [smem:$0x3FD0];
	_ =	sdelay $0x1  }
0x91: {  	s16 =	sld [smem:$0x3FC9]  }
0x92: {  	s5 =	simm.s32 $0xA;
	s6 =	simm.s32 $0x10;
	s4 =	sld [smem:$0x3FC8]  }
0x93: {  	[smem:s6], [sflag:s5] =	dma.local [hbm:s2], $0x1  }
0x94: {  	_ =	swait.eq [sflag:s5], $0x1  }
0x95: {  	[sflag:s5] =	ssyncset.done $0x0  }
0x96: {  	s17 =	sld [smem:$0x10];
	[sflag:s5] =	ssyncadd.s32 $0xFFFFFFFF  }
0x97: {  	s18 =	sld [smem:$0x11];
	(tm) =	ssettm $0x1  }
0x98: {  	s19 =	sld [smem:$0x3FFB];
	_ =	sdelay $0x3  }
0x99: {  	_ =	strace s19  }
0x9a: {  	s6 =	sld [smem:$0x3FFC];
	_ =	sdelay $0x3  }
0x9b: {  	_ =	strace s6  }
0x9c: {  	s6 =	sld [smem:$0x3FFD];
	_ =	sdelay $0x3  }
0x9d: {  	_ =	strace s6  }
0x9e: {  	_ =	strace $0x8FFFFFFF  }
0x9f: {  	s20 =	sld [smem:$0x3FDB];
	_ =	sdelay $0x1  }
0xa0: {  	s7 =	simm.s32 $_scs_section_size  }
0xa1: {  	s8 =	simm.s32 $_size__tile_overlayer_lowered;
	s9 =	simm.s32 $_tile_overlayer_lowered  }
0xa2: {  	s23 =	simm.s32 $0x1BFF;
	s22 =	sshll.u32 s9, $0x1;
	s6 =	sadd.s32 s7, s20  }
0xa3: {  	s10 =	simm.s32 $0x0;
	s21 =	sshll.u32 s8, $0x1;
	s8 =	sadd.s32 s22, s6  }
0xa4: {  	[timem:s10], [sflag:s23] =	dma.local [hbm:s8], s21  }
0xa5: {  	_ =	swait.ge [sflag:s23], s21  }
0xa6: {  	s7 =	ssub.s32 $0x0, s21;
	[sflag:s23] =	ssyncset.done $0x0  }
0xa7: {  	[sflag:s23] =	ssyncadd.s32 s7;
	_ =	sdelay $0x1  }
0xa8: {  	s24 =	simm.s32 $0x1B8B  }
0xa9: {  	_ =	swait.ge [sflag:s24], $0x1  }
0xaa: {  	[sflag:s24] =	ssyncset.done $0x0  }
0xab: {  	s25 =	simm.s32 $0x1B8E;
	[sflag:s24] =	ssyncadd.s32 $0xFFFFFFFF  }
0xac: {  	s26 =	simm.s32 $execute0_lowered;
	[smem:$0x3FD2] =	sst s25  }
0xad: {  	s7 =	sshll.u32 s26, $0x1;
	_ =	strace $0x80000046;
	[dreg:$0x1] =	wrdreg $0xFFFFFFFF  }
0xae: {  	s28 =	simm.s32 $_size_execute0_lowered;
	s6 =	sadd.s32 s6, s7;
	[dreg:$0x0] =	wrdreg $0x0  }
0xaf: {  	s7 =	sshll.u32 s28, $0x1;
	[dreg:$0x2] =	wrdreg s6  }
0xb0: {  	[dreg:$0x3] =	wrdreg s7  }
0xb1: {  	[dreg:$0x4] =	wrdreg $0xC0  }
0xb2: {  	_ =	task [dreg:s10], $0x5FFFF  }
0xb3: {  	[dreg:$0x1] =	wrdreg $0xFFFFFFFF  }
0xb4: {  	[dreg:$0x0] =	wrdreg $0x60  }
0xb5: {  	[dreg:$0x2] =	wrdreg s16  }
0xb6: {  	[dreg:$0x3] =	wrdreg s4  }
0xb7: {  	[dreg:$0x4] =	wrdreg s17  }
0xb8: {  	[dreg:$0x5] =	wrdreg s18  }
0xb9: {  	[dreg:$0x6] =	wrdreg $0x9  }
0xba: {  	_ =	task.clear_ibuf [dreg:s10], $0x7FFFF;
	_ =	strace $0x90000046  }
0xbb: {  	s29 =	simm.s32 $0x9;
	_ =	strace $0x80000048  }
0xbc: {  	_ =	swait.ge [sflag:s29], $0x1  }
0xbd: {  	[sflag:s29] =	ssyncadd.s32 $0xFFFFFFFF  }
0xbe: {  	_ =	strace $0x90000048  }
0xbf: {  	_ =	sfence  }
0xc0: {  	s30 =	sld [smem:$0x0];
	_ =	sdelay $0x2  }
0xc1: {  	s31 =	sshll.u32 s1, $0xD;
	s1 =	sshrl.u32 s1, $0x2  }
0xc2: {  	s3 =	sand.u32 $0x4000, s31;
	s1 =	sadd.s32 s1, s30  }
0xc3: {  	s0 =	sor.u32 s3, s0;
	s1 =	sshll.u32 s1, $0x11  }
0xc4: {  	s0 =	sor.u32 s1, s0  }
0xc5: {  	s0 =	sadd.s32 $0x8F2B, s0  }
0xc6: {  	[sflag:s0] =	ssyncadd.remote.s32 $0x1  }
0xc7: {  	_ =	sfence.sel $0xFFFF  }
0xc8: {  	[dreg:$0x0] =	wrdreg $0xFFFFFFFF;
	(pc) =	sbr.abs _section_cstart, $3  }
0xc9: {  	[dreg:$0x1] =	wrdreg $0xFFFFFFFF  }
0xca: {  	_ =	task.clear_ibuf [dreg:s10], $0x2FFFF;
	_ =	strace $0x9FFFFFFF  }
0xcb: {  	(tm) =	ssettm $0x7FFFFFFF  }
tec
execute0_lowered:
.L_overlay_start_1:
0x0: {  	(tag) =	ssettag $0x1  }
0x1: {  	v0 =	vimm.s32 $0xFEDCBA98;
	v1 =	vimm.s32 $0x76543210  }
0x2: {  	v2 =	vimm.s32 $0xBA98FEDC;
	v3 =	vimm.s32 $0x32107654;
	v4 =	vimm.s32 $0xDCFE98BA  }
0x3: {  	v5 =	vimm.s32 $0x54761032;
	v6 =	vimm.s32 $0xEFCDAB89;
	v7 =	vimm.s32 $0x67452301  }
0x4: {  	vm0 =	vmmov $0x1;
	vm1 =	vmmov $0x3;
	vm2 =	vmmov $0x7  }
0x5: {  	vm3 =	vmmov $0xf;
	vm4 =	vmmov $0x1f;
	vm5 =	vmmov $0x3f  }
0x6: {  	s3 =	rddreg [dreg:$0x0];
	vm6 =	vmmov $0x7f;
	vm7 =	vmmov $0xff;
	vm8 =	vmmov $0x1ff  }
0x7: {  	s4 =	rddreg [dreg:$0x1];
	vm9 =	vmmov $0x3ff;
	vm10 =	vmmov $0x7ff;
	vm11 =	vmmov $0xfff  }
0x8: {  	s5 =	rddreg [dreg:$0x2];
	v0 =	vunpack.c.l.s4.s8 v0;
	v1 =	vunpack.c.l.s4.s8 v1;
	v2 =	vunpack.c.l.s4.s8 v2  }
0x9: {  	s6 =	rddreg [dreg:$0x3];
	s1 =	srdreg.scid;
	v3 =	vunpack.c.l.s4.s8 v3;
	v4 =	vunpack.c.l.s4.s8 v4;
	v5 =	vunpack.c.l.s4.s8 v5  }
0xa: {  	s0 =	rddreg [dreg:$0x4];
	s2 =	simm.s32 $0x0;
	s11 =	simm.s32 $0x8600;
	v6 =	vunpack.c.l.s4.s8 v6;
	v7 =	vunpack.c.l.s4.s8 v7;
	v0 =	vunpack.c.0.s8.s32 v0  }
0xb: {  	s7 =	sand.u32 $0x1, s1;
	[smem:$0x7FF] =	sst s2;
	s1 =	stileid.u32;
	v2 =	vunpack.c.0.s8.s32 v2;
	v3 =	vunpack.c.0.s8.s32 v3;
	v4 =	vunpack.c.0.s8.s32 v4  }
0xc: {  	s8 =	ssub.s32 $0x2, s7;
	s10 =	sshll.u32 s1, $0x7;
	s7 =	sshll.u32 s7, $0x6;
	v5 =	vunpack.c.0.s8.s32 v5;
	v6 =	vunpack.c.0.s8.s32 v6;
	v7 =	vunpack.c.0.s8.s32 v7  }
0xd: {  	vm12 =	vmmov $0x1fff;
	_ =	strace $0x80000047;
	v1 =	vunpack.c.0.s8.s32 v1;
	s9 =	sshrl.u32 s8, $0x1;
	s7 =	sor.u32 s7, s10;
	v2 =	vcombine.low v3, v2  }
0xe: {  	s10 =	simm.s32 $0x8400;
	s8 =	ssub.s32 s8, s9;
	s3 =	sadd.s32 s3, s7;
	v3 =	vcombine.low v5, v4;
	v4 =	vcombine.low v7, v6;
	v0 =	vand.u32 $0xF, v0  }
0xf: {  	vm13 =	vmmov $0x3fff;
	vm14 =	vmmov $0x7fff;
	s4 =	sadd.s32 s4, s7;
	s5 =	sadd.s32 s5, s7;
	s6 =	sadd.s32 s6, s7;
	v0 =	vcombine.low v0, v1  }
0x10: {  	s9 =	simm.s32 $0x200;
	s7 =	smax.u32 s8, $0x1;
	s8 =	simm.s32 $0x1;
	v1 =	vand.u32 $0xF, v2;
	v2 =	vand.u32 $0xF, v3;
	v3 =	vand.u32 $0xF, v4  }
.LBB2_1:
0x11: {  	[tilespmem:s2], [sflag:$0x1] =	stream.linear.gather [hbm4b:s3+s2], $0x200, $0x38;
	[tilespmem:$0x8800] =	vst v63  }
0x12: {  	_ =	swait.ge [sflag:s8], $0x200  }
0x13: {  	[sflag:s8] =	ssyncset.done $0x0  }
0x14: {  	[sflag:s8] =	ssyncadd.s32 $0xFFFFFE00  }
0x15: {  	[tilespmem:s9], [sflag:$0x1] =	stream.linear.gather [hbm4b:s4+s2], $0x200, $0x38;
	[tilespmem:$0x8800] =	vst v63  }
0x16: {  	_ =	swait.ge [sflag:s8], $0x200  }
0x17: {  	[sflag:s8] =	ssyncset.done $0x0  }
0x18: {  	[sflag:s8] =	ssyncadd.s32 $0xFFFFFE00  }
0x19: {  	v4 =	vld [tilespmem:$0x400]  }
0x1a: {  	v5 =	vld [tilespmem:$0x410]  }
0x1b: {  	v6 =	vld [tilespmem:$0x4400]  }
0x1c: {  	v7 =	vld [tilespmem:$0x4410]  }
0x1d: {  	v8 =	vld [tilespmem:$0x420]  }
0x1e: {  	v9 =	vld [tilespmem:$0x430]  }
0x1f: {  	v10 =	vld [tilespmem:$0x4420]  }
0x20: {  	v11 =	vld [tilespmem:$0x4430]  }
0x21: {  	v12 =	vld [tilespmem:$0x440]  }
0x22: {  	v13 =	vld [tilespmem:$0x450]  }
0x23: {  	v14 =	vld [tilespmem:$0x4440]  }
0x24: {  	v15 =	vld [tilespmem:$0x4450]  }
0x25: {  	v16 =	vld [tilespmem:$0x460]  }
0x26: {  	v17 =	vld [tilespmem:$0x470]  }
0x27: {  	v18 =	vld [tilespmem:$0x4460]  }
0x28: {  	v19 =	vld [tilespmem:$0x4470]  }
0x29: {  	v57 =	vld [tilespmem:$0x480]  }
0x2a: {  	v60 =	vld [tilespmem:$0x490]  }
0x2b: {  	v63 =	vld [tilespmem:$0x4480]  }
0x2c: {  	v33 =	vld [tilespmem:$0x4490];
	v4 =	vmul.f32 v6, v4;
	v5 =	vmul.f32 v7, v5  }
0x2d: {  	v34 =	vld [tilespmem:$0x4A0];
	v58 =	vmul.f32 v10, v8;
	v59 =	vmul.f32 v11, v9  }
0x2e: {  	v37 =	vld [tilespmem:$0x4B0];
	v61 =	vmul.f32 v14, v12  }
0x2f: {  	v40 =	vld [tilespmem:$0x44A0];
	v62 =	vmul.f32 v15, v13;
	v4 =	vadd.f32 v5, v4;
	v5 =	vadd.f32 v59, v58  }
0x30: {  	v43 =	vld [tilespmem:$0x44B0]  }
0x31: {  	v44 =	vld [tilespmem:$0x4C0];
	v35 =	vadd.f32 v62, v61;
	v38 =	vperm.xlane v4, v0;
	v39 =	vperm.xlane v5, v0  }
0x32: {  	v45 =	vld [tilespmem:$0x4D0];
	v31 =	vmul.f32 v18, v16;
	v32 =	vmul.f32 v19, v17  }
0x33: {  	v20 =	vld [tilespmem:$0x44C0];
	v41 =	vperm.xlane v35, v0;
	v4 =	vadd.f32 v4, v38;
	v5 =	vadd.f32 v5, v39  }
0x34: {  	v23 =	vld [tilespmem:$0x44D0];
	v36 =	vadd.f32 v32, v31  }
0x35: {  	v48 =	vld [tilespmem:$0x4E0];
	v8 =	vadd.f32 v35, v41;
	v46 =	vperm.xlane v4, v1;
	v47 =	vperm.xlane v5, v1  }
0x36: {  	v49 =	vld [tilespmem:$0x4F0];
	v6 =	vmul.f32 v63, v57;
	v42 =	vperm.xlane v36, v0  }
0x37: {  	v24 =	vld [tilespmem:$0x44E0];
	v21 =	vperm.xlane v8, v1;
	v4 =	vadd.f32 v4, v46;
	v5 =	vadd.f32 v5, v47  }
0x38: {  	v27 =	vld [tilespmem:$0x44F0];
	v9 =	vmul.f32 v33, v60;
	v7 =	vmul.f32 v40, v34;
	v10 =	vadd.f32 v36, v42  }
0x39: {  	v52 =	vld [tilespmem:$0x500];
	v8 =	vadd.f32 v8, v21;
	v50 =	vperm.xlane v4, v2;
	v51 =	vperm.xlane v5, v2  }
0x3a: {  	v53 =	vld [tilespmem:$0x510];
	v11 =	vmul.f32 v43, v37;
	v6 =	vadd.f32 v9, v6;
	v22 =	vperm.xlane v10, v1  }
0x3b: {  	v28 =	vld [tilespmem:$0x4500];
	v25 =	vperm.xlane v8, v2;
	v4 =	vadd.f32 v4, v50;
	v5 =	vadd.f32 v5, v51  }
0x3c: {  	v56 =	vld [tilespmem:$0x520];
	v58 =	vmul.f32 v20, v44;
	v63 =	vperm.xlane v6, v0;
	v10 =	vadd.f32 v10, v22  }
0x3d: {  	v60 =	vld [tilespmem:$0x4520];
	v8 =	vadd.f32 v8, v25;
	v54 =	vperm.xlane v4, v3;
	v55 =	vperm.xlane v5, v3  }
0x3e: {  	v59 =	vmul.f32 v23, v45;
	v23 =	vld [tilespmem:$0x580];
	v6 =	vadd.f32 v6, v63;
	v26 =	vperm.xlane v10, v2  }
0x3f: {  	v38 =	vld [tilespmem:$0x4580];
	v29 =	vperm.xlane v8, v3;
	v4 =	vadd.f32 v4, v54;
	v5 =	vadd.f32 v5, v55  }
0x40: {  	v31 =	vld [tilespmem:$0x4510];
	v7 =	vadd.f32 v11, v7;
	v16 =	vperm.xlane v6, v1;
	v10 =	vadd.f32 v10, v26  }
0x41: {  	v57 =	vld [tilespmem:$0x530];
	v9 =	vadd.f32 v59, v58;
	v4 =	vsel vm0, v4, v5;
	v5 =	vadd.f32 v8, v29  }
0x42: {  	v17 =	vld [tilespmem:$0x550];
	v12 =	vmul.f32 v60, v56;
	v6 =	vadd.f32 v6, v16;
	v30 =	vperm.xlane v10, v3  }
0x43: {  	v62 =	vld [tilespmem:$0x4530];
	v25 =	vmul.f32 v27, v49;
	v4 =	vsel vm1, v4, v5;
	v5 =	vmul.f32 v24, v48  }
0x44: {  	v19 =	vld [tilespmem:$0x4540];
	v38 =	vmul.f32 v38, v23;
	v26 =	vperm.xlane v7, v0;
	v61 =	vadd.f32 v10, v30  }
0x45: {  	v14 =	vld [tilespmem:$0x560];
	v30 =	vmul.f32 v31, v53;
	v29 =	vmul.f32 v28, v52;
	v5 =	vadd.f32 v25, v5  }
0x46: {  	v15 =	vld [tilespmem:$0x570];
	v37 =	vperm.xlane v6, v2;
	v27 =	vperm.xlane v9, v0  }
0x47: {  	v11 =	vld [tilespmem:$0x540];
	v7 =	vadd.f32 v7, v26;
	v13 =	vadd.f32 v30, v29;
	v31 =	vperm.xlane v5, v0  }
0x48: {  	v20 =	vld [tilespmem:$0x4570];
	v6 =	vadd.f32 v6, v37;
	v9 =	vadd.f32 v9, v27;
	v10 =	vmul.f32 v62, v57  }
0x49: {  	v21 =	vld [tilespmem:$0x4550];
	v32 =	vperm.xlane v7, v1;
	v33 =	vperm.xlane v13, v0;
	v5 =	vadd.f32 v5, v31  }
0x4a: {  	v44 =	vld [tilespmem:$0x5A0];
	v47 =	vperm.xlane v6, v3;
	v34 =	vperm.xlane v9, v1;
	v10 =	vadd.f32 v10, v12  }
0x4b: {  	v59 =	vld [tilespmem:$0x45C0];
	v7 =	vadd.f32 v7, v32;
	v8 =	vadd.f32 v13, v33;
	v36 =	vperm.xlane v5, v1  }
0x4c: {  	v56 =	vld [tilespmem:$0x5D0];
	v6 =	vadd.f32 v6, v47;
	v9 =	vadd.f32 v9, v34;
	v35 =	vperm.xlane v10, v0  }
0x4d: {  	v41 =	vld [tilespmem:$0x4590];
	v39 =	vperm.xlane v7, v2;
	v40 =	vperm.xlane v8, v1;
	v5 =	vadd.f32 v5, v36  }
0x4e: {  	v63 =	vld [tilespmem:$0x5E0];
	v34 =	vmul.f32 v21, v17;
	v42 =	vperm.xlane v9, v2;
	v10 =	vadd.f32 v10, v35  }
0x4f: {  	v46 =	vld [tilespmem:$0x5B0];
	v7 =	vadd.f32 v7, v39;
	v8 =	vadd.f32 v8, v40;
	v45 =	vperm.xlane v5, v2  }
0x50: {  	v51 =	vld [tilespmem:$0x45B0];
	v4 =	vsel vm2, v4, v61;
	v9 =	vadd.f32 v9, v42;
	v43 =	vperm.xlane v10, v1  }
0x51: {  	v48 =	vld [tilespmem:$0x45A0];
	v49 =	vperm.xlane v7, v3;
	v50 =	vperm.xlane v8, v2;
	v5 =	vadd.f32 v5, v45  }
0x52: {  	v4 =	vsel vm3, v4, v6;
	v35 =	vld [tilespmem:$0x45E0];
	v52 =	vperm.xlane v9, v3;
	v10 =	vadd.f32 v10, v43  }
0x53: {  	v54 =	vld [tilespmem:$0x5C0];
	v7 =	vadd.f32 v7, v49;
	v8 =	vadd.f32 v8, v50;
	v55 =	vperm.xlane v5, v3  }
0x54: {  	v12 =	vld [tilespmem:$0x4560];
	v33 =	vmul.f32 v19, v11;
	v57 =	vadd.f32 v9, v52;
	v53 =	vperm.xlane v10, v2  }
0x55: {  	v13 =	vld [tilespmem:$0x590];
	v4 =	vsel vm4, v4, v7;
	v60 =	vperm.xlane v8, v3;
	v5 =	vadd.f32 v5, v55  }
0x56: {  	v61 =	vld [tilespmem:$0x45D0];
	v39 =	vmul.f32 v48, v44;
	v4 =	vsel vm5, v4, v57;
	v58 =	vadd.f32 v10, v53  }
0x57: {  	v37 =	vld [tilespmem:$0x45F0];
	v11 =	vmul.f32 v35, v63;
	v4 =	vsel vm6, v4, v5;
	v5 =	vadd.f32 v8, v60  }
0x58: {  	v32 =	vld [tilespmem:$0x5F0];
	v40 =	vmul.f32 v51, v46;
	v62 =	vperm.xlane v58, v3  }
0x59: {  	v36 =	vmul.f32 v20, v15;
	v4 =	vsel vm7, v4, v5;
	v5 =	vmul.f32 v12, v14  }
0x5a: {  	v13 =	vmul.f32 v41, v13;
	v6 =	vadd.f32 v58, v62;
	v8 =	vadd.f32 v34, v33  }
0x5b: {  	v41 =	vmul.f32 v61, v56;
	v10 =	vmul.f32 v59, v54;
	v5 =	vadd.f32 v36, v5  }
0x5c: {  	v42 =	vperm.xlane v8, v0;
	v4 =	vsel vm8, v4, v6;
	v6 =	vadd.f32 v13, v38  }
0x5d: {  	v7 =	vmul.f32 v37, v32;
	v9 =	vadd.f32 v40, v39;
	v43 =	vperm.xlane v5, v0  }
0x5e: {  	v10 =	vadd.f32 v41, v10;
	v8 =	vadd.f32 v8, v42;
	v44 =	vperm.xlane v6, v0  }
0x5f: {  	v7 =	vadd.f32 v7, v11;
	v45 =	vperm.xlane v9, v0;
	v5 =	vadd.f32 v5, v43  }
0x60: {  	v47 =	vperm.xlane v10, v0;
	v46 =	vperm.xlane v8, v1;
	v6 =	vadd.f32 v6, v44  }
0x61: {  	v48 =	vperm.xlane v7, v0;
	v9 =	vadd.f32 v9, v45;
	v14 =	vperm.xlane v5, v1  }
0x62: {  	v10 =	vadd.f32 v10, v47;
	v8 =	vadd.f32 v8, v46;
	v49 =	vperm.xlane v6, v1  }
0x63: {  	v7 =	vadd.f32 v7, v48;
	v50 =	vperm.xlane v9, v1;
	v5 =	vadd.f32 v5, v14  }
0x64: {  	v52 =	vperm.xlane v10, v1;
	v51 =	vperm.xlane v8, v2;
	v6 =	vadd.f32 v6, v49  }
0x65: {  	v53 =	vperm.xlane v7, v1;
	v9 =	vadd.f32 v9, v50;
	v14 =	vperm.xlane v5, v2  }
0x66: {  	v10 =	vadd.f32 v10, v52;
	v8 =	vadd.f32 v8, v51;
	v54 =	vperm.xlane v6, v2  }
0x67: {  	v7 =	vadd.f32 v7, v53;
	v55 =	vperm.xlane v9, v2;
	v5 =	vadd.f32 v5, v14  }
0x68: {  	v57 =	vperm.xlane v10, v2;
	v56 =	vperm.xlane v8, v3;
	v6 =	vadd.f32 v6, v54  }
0x69: {  	v58 =	vperm.xlane v7, v2;
	v9 =	vadd.f32 v9, v55;
	v14 =	vperm.xlane v5, v3  }
0x6a: {  	v10 =	vadd.f32 v10, v57;
	v8 =	vadd.f32 v8, v56;
	v59 =	vperm.xlane v6, v3  }
0x6b: {  	v7 =	vadd.f32 v7, v58;
	v60 =	vperm.xlane v9, v3;
	v5 =	vadd.f32 v5, v14  }
0x6c: {  	v61 =	vperm.xlane v10, v3;
	v4 =	vsel vm9, v4, v8;
	v6 =	vadd.f32 v6, v59  }
0x6d: {  	v62 =	vperm.xlane v7, v3;
	v4 =	vsel vm10, v4, v5;
	v5 =	vadd.f32 v9, v60  }
0x6e: {  	v63 =	vadd.f32 v10, v61;
	v4 =	vsel vm11, v4, v6  }
0x6f: {  	v4 =	vsel vm12, v4, v5;
	v5 =	vadd.f32 v7, v62  }
0x70: {  	v4 =	vsel vm13, v4, v63  }
0x71: {  	v4 =	vsel vm14, v4, v5  }
0x72: {  	v5 =	vsub.f32 $0.0e+00, v4;
	_ =	sdelay $0x1  }
0x73: {  	v5 =	vmul.f32 $1.442695020e+00, v5;
	_ =	sdelay $0x1  }
0x74: {  	(erf) = vpow2.f32 v5;
	_ =	sdelay $0x8  }
0x75: {  	v5 =	vpop (erf)  }
0x76: {  	v5 =	vadd.f32 $1.000000000e+00, v5;
	_ =	sdelay $0x1  }
0x77: {  	(erf) = vrcp.f32 v5;
	_ =	sdelay $0x8  }
0x78: {  	[tilespmem:$0x8400] =	vst v4;
	v4 =	vpop (erf)  }
0x79: {  	[tilespmem:$0x8600] =	vst v4  }
0x7a: {  	[hbm4b:s5+s2] =	stream.linear.scatter [tilespmem:s10], [sflag:$0x1], $0x200, $0x38;
	[tilespmem:$0x8800] =	vst v63  }
0x7b: {  	_ =	swait.ge [sflag:s8], $0x200  }
0x7c: {  	p0 =	sne.s32 s7, $0x1;
	[sflag:s8] =	ssyncset.done $0x0  }
.Ltmp0:
0x7d: {  	[sflag:s8] =	ssyncadd.s32 $0xFFFFFE00;
	(pc) =	sbr.rel @p0 .LBB2_1-.Ltmp0, $4  }
0x7e: {  	[hbm4b:s6+s2] =	stream.linear.scatter [tilespmem:s11], [sflag:$0x1], $0x200, $0x38;
	[tilespmem:$0x8800] =	vst v63  }
0x7f: {  	_ =	swait.ge [sflag:s8], $0x200  }
0x80: {  	[sflag:s8] =	ssyncset.done $0x0  }
0x81: {  	s7 =	sadd.s32 $0xFFFFFFFF, s7;
	[sflag:s8] =	ssyncadd.s32 $0xFFFFFE00  }
0x82: {  	_ =	sfence.sel $0x180000  }
0x83: {  	[bflag:$0x0] =	sbarrier.arrive $0xFFFF  }
0x84: {  	p0 =	sne.s32 s1, $0x0;
	_ =	strace $0x90000047  }
0x85: {  	s0 =	sadd.s32 @!p0 $0x100000, s0;
	[bflag:$0x2] =	sbarrier.arrive $0xFFFF  }
0x86: {  	[sflag:s0] =	ssyncadd.tile.s32 @!p0 $0x1;
	_ =	shalt  }
.Lfunc_end2:
_tile_overlayer_lowered:
.L_overlay_start_2:
0x87: {  	(tag) =	ssettag $0x2  }
0x88: {  	s0 =	rddreg [dreg:$0x0];
	s2 =	stileid.u32  }
0x89: {  	s1 =	rddreg [dreg:$0x1];
	p0 =	sne.s32 s2, $0x0  }
0x8a: {  	s3 =	rddreg [dreg:$0x2];
	[bflag:$0x3] =	sbarrier.arrive $0xFFFF;
	s2 =	simm.s32 @!p0 $0x1C01  }
0x8b: {  	[timem:s3], [sflag:s2] =	dma.local @!p0 [hbm:s0], s1  }
0x8c: {  	s0 =	simm.s32 @!p0 $0x1  }
0x8d: {  	_ =	swait.ge @!p0 [sflag:s0], s1  }
0x8e: {  	s1 =	ssub.s32 @!p0 $0x0, s1;
	[sflag:s0] =	ssyncset.done @!p0 $0x0  }
0x8f: {  	[sflag:s0] =	ssyncadd.s32 @!p0 s1  }
0x90: {  	[bflag:$0x3] =	sbarrier.arrive $0xFFFF  }
0x91: {  	_ =	shalt  }

</sc_bundles>
